<compile_context>
chip_gen: v7x
topology: tpu7x:2x2x1
jax: 0.10.2.dev20260603
libtpu: 0.0.44.dev20260713+nightly
codegen_flags: <defaults>
</compile_context>

<pallas_src>
import functools

import jax
import jax.numpy as jnp
from jax import lax
from jax.experimental import pallas as pl
from jax.experimental.pallas import tpu as pltpu
from jax.experimental.pallas import tpu_sc as plsc

B = 4096
S = 200
D = 64
NC = 2
NS = 16
NW = NC * NS
ROWS = B * S
RPW = ROWS // NW
CB = 2
C = CB * S
NCH = RPW // C
SCALE = 8.0


def _mesh():
    return plsc.VectorSubcoreMesh(core_axis_name="c", subcore_axis_name="s")


@functools.partial(
    pl.kernel,
    mesh=_mesh(),
    out_type=jax.ShapeDtypeStruct((B, S, 2 * D), jnp.float32),
    compiler_params=pltpu.CompilerParams(use_tc_tiling_on_sc=False),
    scratch_types=[
        pltpu.VMEM((2, C), jnp.int32),
        pltpu.VMEM((2, C, D), jnp.float32),
        pltpu.VMEM((2, CB, S, D), jnp.float32),
        pltpu.VMEM((S, D), jnp.float32),
        pltpu.SemaphoreType.DMA,
        pltpu.SemaphoreType.DMA,
        pltpu.SemaphoreType.DMA,
        pltpu.SemaphoreType.DMA,
        pltpu.SemaphoreType.DMA,
        pltpu.SemaphoreType.DMA,
    ],
)
def _embed(idx_hbm, tok_hbm, pos_hbm, out_hbm, idx_v, g_v, o_v, pos_v,
           isem0, isem1, gsem0, gsem1, osem0, osem1):
    isem = (isem0, isem1)
    gsem = (gsem0, gsem1)
    osem = (osem0, osem1)
    wid = lax.axis_index("s") * NC + lax.axis_index("c")
    base = wid * RPW
    batch0 = wid * (RPW // S)
    pltpu.sync_copy(pos_hbm, pos_v)

    H = C // 2

    def gathers(b):
        return [
            pltpu.make_async_copy(
                tok_hbm.at[idx_v.at[b, pl.ds(h * H, H)]],
                g_v.at[b, pl.ds(h * H, H)], gsem[b])
            for h in range(2)
        ]

    for b in range(2):
        pltpu.sync_copy(idx_hbm.at[pl.ds(base + b * C, C)], idx_v.at[b])
        for g in gathers(b):
            g.start()

    def out_copy(c, b):
        return pltpu.make_async_copy(
            o_v.at[b],
            out_hbm.at[pl.ds(batch0 + c * CB, CB), pl.ds(0, S), pl.ds(0, D)],
            osem[b])

    def outer(gi, carry):
        for b in range(2):
            c = 2 * gi + b
            row0 = base + c * C
            for g in gathers(b):
                g.wait()
            @pl.when(c < NCH - 2)
            def _stage():
                pltpu.make_async_copy(
                    idx_hbm.at[pl.ds(row0 + 2 * C, C)], idx_v.at[b],
                    isem[b]).start()

            @pl.when(c >= 2)
            def _drain():
                out_copy(c, b).wait()

            def row_body(r, carry2):
                for j in range(D // 16):
                    sl = pl.ds(j * 16, 16)
                    pv = pos_v[r, sl]
                    for sb in range(CB):
                        o_v[b, sb, r, sl] = (
                            g_v[b, sb * S + r, sl] * SCALE + pv)
                return carry2

            lax.fori_loop(0, S, row_body, 0, unroll=2)

            out_copy(c, b).start()

            @pl.when(c < NCH - 2)
            def _next_gather():
                pltpu.make_async_copy(
                    idx_hbm.at[pl.ds(row0 + 2 * C, C)], idx_v.at[b],
                    isem[b]).wait()
                for g in gathers(b):
                    g.start()
        return carry

    lax.fori_loop(0, NCH // 2, outer, 0)
    for b in range(2):
        out_copy(NCH - 2 + b, b).wait()


def kernel(inputs, tok_table, pos_table):
    idx = inputs.reshape(ROWS).astype(jnp.int32)
    return _embed(idx, tok_table, pos_table)[:, :, :D]

# --- scband reference (transcript-rebuilt; emitter-appended) ---
"""Pipeline reference for scband-transformer-embedding-14791867367506 (READ-ONLY COPY).

The authoritative reference and input builder live on the scoring server;
editing this copy changes nothing except your own understanding.
"""

import jax, jax.numpy as jnp
import numpy as np

VOCAB = 1000000
SEQ_LEN = 200
EMBED_DIM = 64
BATCH = 4096


def setup_inputs(seed: int = 0) -> dict:
    key = jax.random.key(seed)
    k1, k2, k3 = jax.random.split(key, 3)
    inputs = jax.random.randint(k1, (BATCH, SEQ_LEN), 0, VOCAB, dtype=jnp.int64 if jax.config.jax_enable_x64 else jnp.int32)
    tok_table = jax.random.normal(k2, (VOCAB, EMBED_DIM), dtype=jnp.float32) * 0.02
    pos_table = jax.random.normal(k3, (SEQ_LEN, EMBED_DIM), dtype=jnp.float32) * 0.02
    return {"inputs": inputs, "tok_table": tok_table, "pos_table": pos_table}


def reference(inputs, tok_table, pos_table):
    # TransformerEmbedding.call with use_scale=True
    positions = jnp.arange(SEQ_LEN)
    embedded_positions = jnp.take(pos_table, positions, axis=0)  # [SEQ_LEN, EMBED_DIM]
    x = jnp.take(tok_table, inputs, axis=0)  # [B, SEQ_LEN, EMBED_DIM]
    embed_scale = jnp.sqrt(jnp.asarray(EMBED_DIM, dtype=jnp.float32))
    x = x * embed_scale
    return x + embedded_positions[None, :, :]

if __name__ == "__main__":
    import jax
    _d = setup_inputs()
    print(jax.jit(kernel)(*tuple(_d.values())))

</pallas_src>

<mosaic_0001>
#map = affine_map<(d0, d1) -> (0)>
#map1 = affine_map<(d0, d1) -> (0, 0)>
#map2 = affine_map<(d0, d1) -> (0, 0, 0)>
module attributes {stable_mosaic.version = 14 : i64} {
  func.func @_embed(%arg0: i32, %arg1: i32, %arg2: memref<819200xi32, #tpu.memory_space<hbm>>, %arg3: memref<1000000x64xf32, #tpu.memory_space<hbm>>, %arg4: memref<200x64xf32, #tpu.memory_space<hbm>>, %arg5: memref<4096x200x128xf32, #tpu.memory_space<hbm>>, %arg6: memref<2x400xi32, #tpu.memory_space<vmem>>, %arg7: memref<2x400x64xf32, #tpu.memory_space<vmem>>, %arg8: memref<2x2x200x64xf32, #tpu.memory_space<vmem>>, %arg9: memref<200x64xf32, #tpu.memory_space<vmem>>, %arg10: memref<!tpu.dma_semaphore, #tpu.memory_space<semaphore_mem>>, %arg11: memref<!tpu.dma_semaphore, #tpu.memory_space<semaphore_mem>>, %arg12: memref<!tpu.dma_semaphore, #tpu.memory_space<semaphore_mem>>, %arg13: memref<!tpu.dma_semaphore, #tpu.memory_space<semaphore_mem>>, %arg14: memref<!tpu.dma_semaphore, #tpu.memory_space<semaphore_mem>>, %arg15: memref<!tpu.dma_semaphore, #tpu.memory_space<semaphore_mem>>) attributes {dimension_semantics = [#tpu.dimension_semantics<core_parallel>, #tpu.dimension_semantics<subcore_parallel>], iteration_bounds = array<i64: 2, 16>, scalar_prefetch = 0 : i64, scratch_operands = 10 : i64, tpu.core_type = #tpu.core_type<sc_vector_subcore>, window_params = [{transform_indices = #map}, {transform_indices = #map1}, {transform_indices = #map1}, {transform_indices = #map2}]} {
    %mul3A = arith.constant 2 : i32
    %mul3A_0 = arith.muli %arg1, %mul3A : i32
    %add3A = arith.addi %mul3A_0, %arg0 : i32
    %mul3A_1 = arith.constant 25600 : i32
    %mul3A_2 = arith.muli %add3A, %mul3A_1 : i32
    %mul3A_3 = arith.constant 128 : i32
    %mul3A_4 = arith.muli %add3A, %mul3A_3 : i32
    "tpu.region"() ({
      %run_scoped3A_99 = tpu.sem_alloc : memref<!tpu.dma_semaphore, #tpu.memory_space<semaphore_mem>>
      tpu.enqueue_dma source(%arg4 : memref<200x64xf32, #tpu.memory_space<hbm>>) target(%arg9 : memref<200x64xf32, #tpu.memory_space<vmem>>) target_semaphore(%run_scoped3A_99 : memref<!tpu.dma_semaphore, #tpu.memory_space<semaphore_mem>>)
      tpu.wait_dma2 semaphore(%run_scoped3A_99 : memref<!tpu.dma_semaphore, #tpu.memory_space<semaphore_mem>>) src(%arg4 : memref<200x64xf32, #tpu.memory_space<hbm>>) dst(%arg9 : memref<200x64xf32, #tpu.memory_space<vmem>>)
      tpu.yield
    }) : () -> ()
    %add3A_5 = arith.constant 0 : i32
    %add3A_6 = arith.addi %mul3A_2, %add3A_5 : i32
    %run_scoped3A = arith.constant 0 : i32
    "tpu.region"() ({
      %run_scoped3A_99 = tpu.sem_alloc : memref<!tpu.dma_semaphore, #tpu.memory_space<semaphore_mem>>
      %dma_start3A_100 = arith.constant 0 : i32
      %dma_start3A_101 = tpu.memref_slice %arg6[%run_scoped3A, %dma_start3A_100] : memref<2x400xi32, #tpu.memory_space<vmem>> -> memref<1x400xi32, #tpu.memory_space<vmem>>
      %dma_start3A_102 = tpu.memref_squeeze %dma_start3A_101 : memref<1x400xi32, #tpu.memory_space<vmem>> -> memref<400xi32, #tpu.memory_space<vmem>>
      %dma_start3A_103 = tpu.memref_slice %arg2[%add3A_6] : memref<819200xi32, #tpu.memory_space<hbm>> -> memref<400xi32, #tpu.memory_space<hbm>>
      %dma_start3A_104 = arith.constant 0 : i32
      %dma_start3A_105 = tpu.memref_slice %arg6[%run_scoped3A, %dma_start3A_104] : memref<2x400xi32, #tpu.memory_space<vmem>> -> memref<1x400xi32, #tpu.memory_space<vmem>>
      %dma_start3A_106 = tpu.memref_squeeze %dma_start3A_105 : memref<1x400xi32, #tpu.memory_space<vmem>> -> memref<400xi32, #tpu.memory_space<vmem>>
      %dma_start3A_107 = tpu.memref_slice %arg2[%add3A_6] : memref<819200xi32, #tpu.memory_space<hbm>> -> memref<400xi32, #tpu.memory_space<hbm>>
      tpu.enqueue_dma source(%dma_start3A_107 : memref<400xi32, #tpu.memory_space<hbm>>) target(%dma_start3A_106 : memref<400xi32, #tpu.memory_space<vmem>>) target_semaphore(%run_scoped3A_99 : memref<!tpu.dma_semaphore, #tpu.memory_space<semaphore_mem>>)
      %dma_wait3A_108 = arith.constant 0 : i32
      %dma_wait3A_109 = tpu.memref_slice %arg6[%run_scoped3A, %dma_wait3A_108] : memref<2x400xi32, #tpu.memory_space<vmem>> -> memref<1x400xi32, #tpu.memory_space<vmem>>
      %dma_wait3A_110 = tpu.memref_squeeze %dma_wait3A_109 : memref<1x400xi32, #tpu.memory_space<vmem>> -> memref<400xi32, #tpu.memory_space<vmem>>
      %dma_wait3A_111 = tpu.memref_slice %arg2[%add3A_6] : memref<819200xi32, #tpu.memory_space<hbm>> -> memref<400xi32, #tpu.memory_space<hbm>>
      %dma_wait3A_112 = arith.constant 0 : i32
      %dma_wait3A_113 = tpu.memref_slice %arg6[%run_scoped3A, %dma_wait3A_112] : memref<2x400xi32, #tpu.memory_space<vmem>> -> memref<1x400xi32, #tpu.memory_space<vmem>>
      %dma_wait3A_114 = tpu.memref_squeeze %dma_wait3A_113 : memref<1x400xi32, #tpu.memory_space<vmem>> -> memref<400xi32, #tpu.memory_space<vmem>>
      %dma_wait3A_115 = tpu.memref_slice %arg2[%add3A_6] : memref<819200xi32, #tpu.memory_space<hbm>> -> memref<400xi32, #tpu.memory_space<hbm>>
      tpu.wait_dma2 semaphore(%run_scoped3A_99 : memref<!tpu.dma_semaphore, #tpu.memory_space<semaphore_mem>>) src(%dma_wait3A_115 : memref<400xi32, #tpu.memory_space<hbm>>) dst(%dma_wait3A_114 : memref<400xi32, #tpu.memory_space<vmem>>)
      tpu.yield
    }) : () -> ()
    %dma_start3A = arith.constant 0 : i32
    %dma_start3A_7 = arith.constant 0 : i32
    %dma_start3A_8 = arith.constant 0 : i32
    %dma_start3A_9 = arith.constant 0 : i32
    %dma_start3A_10 = tpu.memref_slice %arg7[%dma_start3A_7, %dma_start3A_8, %dma_start3A_9] : memref<2x400x64xf32, #tpu.memory_space<vmem>> -> memref<1x200x64xf32, #tpu.memory_space<vmem>>
    %dma_start3A_11 = tpu.memref_squeeze %dma_start3A_10 : memref<1x200x64xf32, #tpu.memory_space<vmem>> -> memref<200x64xf32, #tpu.memory_space<vmem>>
    %dma_start3A_12 = arith.constant 0 : i32
    %dma_start3A_13 = tpu.memref_slice %arg6[%dma_start3A, %dma_start3A_12] : memref<2x400xi32, #tpu.memory_space<vmem>> -> memref<1x200xi32, #tpu.memory_space<vmem>>
    %dma_start3A_14 = tpu.memref_squeeze %dma_start3A_13 : memref<1x200xi32, #tpu.memory_space<vmem>> -> memref<200xi32, #tpu.memory_space<vmem>>
    %dma_start3A_15 = arith.constant 0 : i32
    %dma_start3A_16 = arith.constant 0 : i32
    %dma_start3A_17 = tpu.memref_slice %arg3[%dma_start3A_15, %dma_start3A_16] : memref<1000000x64xf32, #tpu.memory_space<hbm>> -> memref<1000000x64xf32, #tpu.memory_space<hbm>>
    tpu.enqueue_indirect_dma source(%dma_start3A_17 : memref<1000000x64xf32, #tpu.memory_space<hbm>>) target(%dma_start3A_11 : memref<200x64xf32, #tpu.memory_space<vmem>>) offsets(%dma_start3A_14 : memref<200xi32, #tpu.memory_space<vmem>>) semaphore(%arg12 : memref<!tpu.dma_semaphore, #tpu.memory_space<semaphore_mem>>)
    %dma_start3A_18 = arith.constant 0 : i32
    %dma_start3A_19 = arith.constant 0 : i32
    %dma_start3A_20 = arith.constant 200 : i32
    %dma_start3A_21 = arith.constant 0 : i32
    %dma_start3A_22 = tpu.memref_slice %arg7[%dma_start3A_19, %dma_start3A_20, %dma_start3A_21] : memref<2x400x64xf32, #tpu.memory_space<vmem>> -> memref<1x200x64xf32, #tpu.memory_space<vmem>>
    %dma_start3A_23 = tpu.memref_squeeze %dma_start3A_22 : memref<1x200x64xf32, #tpu.memory_space<vmem>> -> memref<200x64xf32, #tpu.memory_space<vmem>>
    %dma_start3A_24 = arith.constant 200 : i32
    %dma_start3A_25 = tpu.memref_slice %arg6[%dma_start3A_18, %dma_start3A_24] : memref<2x400xi32, #tpu.memory_space<vmem>> -> memref<1x200xi32, #tpu.memory_space<vmem>>
    %dma_start3A_26 = tpu.memref_squeeze %dma_start3A_25 : memref<1x200xi32, #tpu.memory_space<vmem>> -> memref<200xi32, #tpu.memory_space<vmem>>
    %dma_start3A_27 = arith.constant 0 : i32
    %dma_start3A_28 = arith.constant 0 : i32
    %dma_start3A_29 = tpu.memref_slice %arg3[%dma_start3A_27, %dma_start3A_28] : memref<1000000x64xf32, #tpu.memory_space<hbm>> -> memref<1000000x64xf32, #tpu.memory_space<hbm>>
    tpu.enqueue_indirect_dma source(%dma_start3A_29 : memref<1000000x64xf32, #tpu.memory_space<hbm>>) target(%dma_start3A_23 : memref<200x64xf32, #tpu.memory_space<vmem>>) offsets(%dma_start3A_26 : memref<200xi32, #tpu.memory_space<vmem>>) semaphore(%arg12 : memref<!tpu.dma_semaphore, #tpu.memory_space<semaphore_mem>>)
    %add3A_30 = arith.constant 400 : i32
    %add3A_31 = arith.addi %mul3A_2, %add3A_30 : i32
    %run_scoped3A_32 = arith.constant 1 : i32
    "tpu.region"() ({
      %run_scoped3A_99 = tpu.sem_alloc : memref<!tpu.dma_semaphore, #tpu.memory_space<semaphore_mem>>
      %dma_start3A_100 = arith.constant 0 : i32
      %dma_start3A_101 = tpu.memref_slice %arg6[%run_scoped3A_32, %dma_start3A_100] : memref<2x400xi32, #tpu.memory_space<vmem>> -> memref<1x400xi32, #tpu.memory_space<vmem>>
      %dma_start3A_102 = tpu.memref_squeeze %dma_start3A_101 : memref<1x400xi32, #tpu.memory_space<vmem>> -> memref<400xi32, #tpu.memory_space<vmem>>
      %dma_start3A_103 = tpu.memref_slice %arg2[%add3A_31] : memref<819200xi32, #tpu.memory_space<hbm>> -> memref<400xi32, #tpu.memory_space<hbm>>
      %dma_start3A_104 = arith.constant 0 : i32
      %dma_start3A_105 = tpu.memref_slice %arg6[%run_scoped3A_32, %dma_start3A_104] : memref<2x400xi32, #tpu.memory_space<vmem>> -> memref<1x400xi32, #tpu.memory_space<vmem>>
      %dma_start3A_106 = tpu.memref_squeeze %dma_start3A_105 : memref<1x400xi32, #tpu.memory_space<vmem>> -> memref<400xi32, #tpu.memory_space<vmem>>
      %dma_start3A_107 = tpu.memref_slice %arg2[%add3A_31] : memref<819200xi32, #tpu.memory_space<hbm>> -> memref<400xi32, #tpu.memory_space<hbm>>
      tpu.enqueue_dma source(%dma_start3A_107 : memref<400xi32, #tpu.memory_space<hbm>>) target(%dma_start3A_106 : memref<400xi32, #tpu.memory_space<vmem>>) target_semaphore(%run_scoped3A_99 : memref<!tpu.dma_semaphore, #tpu.memory_space<semaphore_mem>>)
      %dma_wait3A_108 = arith.constant 0 : i32
      %dma_wait3A_109 = tpu.memref_slice %arg6[%run_scoped3A_32, %dma_wait3A_108] : memref<2x400xi32, #tpu.memory_space<vmem>> -> memref<1x400xi32, #tpu.memory_space<vmem>>
      %dma_wait3A_110 = tpu.memref_squeeze %dma_wait3A_109 : memref<1x400xi32, #tpu.memory_space<vmem>> -> memref<400xi32, #tpu.memory_space<vmem>>
      %dma_wait3A_111 = tpu.memref_slice %arg2[%add3A_31] : memref<819200xi32, #tpu.memory_space<hbm>> -> memref<400xi32, #tpu.memory_space<hbm>>
      %dma_wait3A_112 = arith.constant 0 : i32
      %dma_wait3A_113 = tpu.memref_slice %arg6[%run_scoped3A_32, %dma_wait3A_112] : memref<2x400xi32, #tpu.memory_space<vmem>> -> memref<1x400xi32, #tpu.memory_space<vmem>>
      %dma_wait3A_114 = tpu.memref_squeeze %dma_wait3A_113 : memref<1x400xi32, #tpu.memory_space<vmem>> -> memref<400xi32, #tpu.memory_space<vmem>>
      %dma_wait3A_115 = tpu.memref_slice %arg2[%add3A_31] : memref<819200xi32, #tpu.memory_space<hbm>> -> memref<400xi32, #tpu.memory_space<hbm>>
      tpu.wait_dma2 semaphore(%run_scoped3A_99 : memref<!tpu.dma_semaphore, #tpu.memory_space<semaphore_mem>>) src(%dma_wait3A_115 : memref<400xi32, #tpu.memory_space<hbm>>) dst(%dma_wait3A_114 : memref<400xi32, #tpu.memory_space<vmem>>)
      tpu.yield
    }) : () -> ()
    %dma_start3A_33 = arith.constant 1 : i32
    %dma_start3A_34 = arith.constant 1 : i32
    %dma_start3A_35 = arith.constant 0 : i32
    %dma_start3A_36 = arith.constant 0 : i32
    %dma_start3A_37 = tpu.memref_slice %arg7[%dma_start3A_34, %dma_start3A_35, %dma_start3A_36] : memref<2x400x64xf32, #tpu.memory_space<vmem>> -> memref<1x200x64xf32, #tpu.memory_space<vmem>>
    %dma_start3A_38 = tpu.memref_squeeze %dma_start3A_37 : memref<1x200x64xf32, #tpu.memory_space<vmem>> -> memref<200x64xf32, #tpu.memory_space<vmem>>
    %dma_start3A_39 = arith.constant 0 : i32
    %dma_start3A_40 = tpu.memref_slice %arg6[%dma_start3A_33, %dma_start3A_39] : memref<2x400xi32, #tpu.memory_space<vmem>> -> memref<1x200xi32, #tpu.memory_space<vmem>>
    %dma_start3A_41 = tpu.memref_squeeze %dma_start3A_40 : memref<1x200xi32, #tpu.memory_space<vmem>> -> memref<200xi32, #tpu.memory_space<vmem>>
    %dma_start3A_42 = arith.constant 0 : i32
    %dma_start3A_43 = arith.constant 0 : i32
    %dma_start3A_44 = tpu.memref_slice %arg3[%dma_start3A_42, %dma_start3A_43] : memref<1000000x64xf32, #tpu.memory_space<hbm>> -> memref<1000000x64xf32, #tpu.memory_space<hbm>>
    tpu.enqueue_indirect_dma source(%dma_start3A_44 : memref<1000000x64xf32, #tpu.memory_space<hbm>>) target(%dma_start3A_38 : memref<200x64xf32, #tpu.memory_space<vmem>>) offsets(%dma_start3A_41 : memref<200xi32, #tpu.memory_space<vmem>>) semaphore(%arg13 : memref<!tpu.dma_semaphore, #tpu.memory_space<semaphore_mem>>)
    %dma_start3A_45 = arith.constant 1 : i32
    %dma_start3A_46 = arith.constant 1 : i32
    %dma_start3A_47 = arith.constant 200 : i32
    %dma_start3A_48 = arith.constant 0 : i32
    %dma_start3A_49 = tpu.memref_slice %arg7[%dma_start3A_46, %dma_start3A_47, %dma_start3A_48] : memref<2x400x64xf32, #tpu.memory_space<vmem>> -> memref<1x200x64xf32, #tpu.memory_space<vmem>>
    %dma_start3A_50 = tpu.memref_squeeze %dma_start3A_49 : memref<1x200x64xf32, #tpu.memory_space<vmem>> -> memref<200x64xf32, #tpu.memory_space<vmem>>
    %dma_start3A_51 = arith.constant 200 : i32
    %dma_start3A_52 = tpu.memref_slice %arg6[%dma_start3A_45, %dma_start3A_51] : memref<2x400xi32, #tpu.memory_space<vmem>> -> memref<1x200xi32, #tpu.memory_space<vmem>>
    %dma_start3A_53 = tpu.memref_squeeze %dma_start3A_52 : memref<1x200xi32, #tpu.memory_space<vmem>> -> memref<200xi32, #tpu.memory_space<vmem>>
    %dma_start3A_54 = arith.constant 0 : i32
    %dma_start3A_55 = arith.constant 0 : i32
    %dma_start3A_56 = tpu.memref_slice %arg3[%dma_start3A_54, %dma_start3A_55] : memref<1000000x64xf32, #tpu.memory_space<hbm>> -> memref<1000000x64xf32, #tpu.memory_space<hbm>>
    tpu.enqueue_indirect_dma source(%dma_start3A_56 : memref<1000000x64xf32, #tpu.memory_space<hbm>>) target(%dma_start3A_50 : memref<200x64xf32, #tpu.memory_space<vmem>>) offsets(%dma_start3A_53 : memref<200xi32, #tpu.memory_space<vmem>>) semaphore(%arg13 : memref<!tpu.dma_semaphore, #tpu.memory_space<semaphore_mem>>)
    %scan3A = arith.constant 0 : i32
    %scan3A_57 = arith.constant 0 : i32
    %scan3A_58 = arith.constant 32 : i32
    %scan3A_59 = arith.addi %scan3A_57, %scan3A_58 : i32
    %scan3A_60 = arith.constant 1 : i32
    scf.for %scan3A_99 = %scan3A_57 to %scan3A_59 step %scan3A_60  : i32 {
      %mul3A_100 = arith.constant 2 : i32
      %mul3A_101 = arith.muli %mul3A_100, %scan3A_99 : i32
      %add3A_102 = arith.constant 0 : i32
      %add3A_103 = arith.addi %mul3A_101, %add3A_102 : i32
      %mul3A_104 = arith.constant 400 : i32
      %mul3A_105 = arith.muli %add3A_103, %mul3A_104 : i32
      %add3A_106 = arith.addi %mul3A_2, %mul3A_105 : i32
      %dma_wait3A_107 = arith.constant 0 : i32
      %dma_wait3A_108 = arith.constant 0 : i32
      %dma_wait3A_109 = arith.constant 0 : i32
      %dma_wait3A_110 = arith.constant 0 : i32
      %dma_wait3A_111 = tpu.memref_slice %arg7[%dma_wait3A_108, %dma_wait3A_109, %dma_wait3A_110] : memref<2x400x64xf32, #tpu.memory_space<vmem>> -> memref<1x200x64xf32, #tpu.memory_space<vmem>>
      %dma_wait3A_112 = tpu.memref_squeeze %dma_wait3A_111 : memref<1x200x64xf32, #tpu.memory_space<vmem>> -> memref<200x64xf32, #tpu.memory_space<vmem>>
      %dma_wait3A_113 = arith.constant 0 : i32
      %dma_wait3A_114 = tpu.memref_slice %arg6[%dma_wait3A_107, %dma_wait3A_113] : memref<2x400xi32, #tpu.memory_space<vmem>> -> memref<1x200xi32, #tpu.memory_space<vmem>>
      %dma_wait3A_115 = tpu.memref_squeeze %dma_wait3A_114 : memref<1x200xi32, #tpu.memory_space<vmem>> -> memref<200xi32, #tpu.memory_space<vmem>>
      %dma_wait3A_116 = arith.constant 0 : i32
      %dma_wait3A_117 = arith.constant 0 : i32
      %dma_wait3A_118 = tpu.memref_slice %arg3[%dma_wait3A_116, %dma_wait3A_117] : memref<1000000x64xf32, #tpu.memory_space<hbm>> -> memref<1000000x64xf32, #tpu.memory_space<hbm>>
      tpu.wait_indirect_dma semaphore(%arg12 : memref<!tpu.dma_semaphore, #tpu.memory_space<semaphore_mem>>) src(%dma_wait3A_118 : memref<1000000x64xf32, #tpu.memory_space<hbm>>) dst(%dma_wait3A_112 : memref<200x64xf32, #tpu.memory_space<vmem>>)
      %dma_wait3A_119 = arith.constant 0 : i32
      %dma_wait3A_120 = arith.constant 0 : i32
      %dma_wait3A_121 = arith.constant 200 : i32
      %dma_wait3A_122 = arith.constant 0 : i32
      %dma_wait3A_123 = tpu.memref_slice %arg7[%dma_wait3A_120, %dma_wait3A_121, %dma_wait3A_122] : memref<2x400x64xf32, #tpu.memory_space<vmem>> -> memref<1x200x64xf32, #tpu.memory_space<vmem>>
      %dma_wait3A_124 = tpu.memref_squeeze %dma_wait3A_123 : memref<1x200x64xf32, #tpu.memory_space<vmem>> -> memref<200x64xf32, #tpu.memory_space<vmem>>
      %dma_wait3A_125 = arith.constant 200 : i32
      %dma_wait3A_126 = tpu.memref_slice %arg6[%dma_wait3A_119, %dma_wait3A_125] : memref<2x400xi32, #tpu.memory_space<vmem>> -> memref<1x200xi32, #tpu.memory_space<vmem>>
      %dma_wait3A_127 = tpu.memref_squeeze %dma_wait3A_126 : memref<1x200xi32, #tpu.memory_space<vmem>> -> memref<200xi32, #tpu.memory_space<vmem>>
      %dma_wait3A_128 = arith.constant 0 : i32
      %dma_wait3A_129 = arith.constant 0 : i32
      %dma_wait3A_130 = tpu.memref_slice %arg3[%dma_wait3A_128, %dma_wait3A_129] : memref<1000000x64xf32, #tpu.memory_space<hbm>> -> memref<1000000x64xf32, #tpu.memory_space<hbm>>
      tpu.wait_indirect_dma semaphore(%arg12 : memref<!tpu.dma_semaphore, #tpu.memory_space<semaphore_mem>>) src(%dma_wait3A_130 : memref<1000000x64xf32, #tpu.memory_space<hbm>>) dst(%dma_wait3A_124 : memref<200x64xf32, #tpu.memory_space<vmem>>)
      %lt3A = arith.constant 62 : i32
      %lt3A_131 = arith.cmpi slt, %add3A_103, %lt3A : i32
      %convert_element_type3A = arith.extui %lt3A_131 : i1 to i32
      %cond3A = arith.constant 0 : i32
      %cond3A_132 = arith.cmpi ne, %convert_element_type3A, %cond3A : i32
      scf.if %cond3A_132 {
        %add3A_240 = arith.constant 800 : i32
        %add3A_241 = arith.addi %add3A_106, %add3A_240 : i32
        %dma_start3A_242 = arith.constant 0 : i32
        %dma_start3A_243 = arith.constant 0 : i32
        %dma_start3A_244 = tpu.memref_slice %arg6[%dma_start3A_242, %dma_start3A_243] : memref<2x400xi32, #tpu.memory_space<vmem>> -> memref<1x400xi32, #tpu.memory_space<vmem>>
        %dma_start3A_245 = tpu.memref_squeeze %dma_start3A_244 : memref<1x400xi32, #tpu.memory_space<vmem>> -> memref<400xi32, #tpu.memory_space<vmem>>
        %dma_start3A_246 = tpu.memref_slice %arg2[%add3A_241] : memref<819200xi32, #tpu.memory_space<hbm>> -> memref<400xi32, #tpu.memory_space<hbm>>
        %dma_start3A_247 = arith.constant 0 : i32
        %dma_start3A_248 = tpu.memref_slice %arg6[%dma_start3A_242, %dma_start3A_247] : memref<2x400xi32, #tpu.memory_space<vmem>> -> memref<1x400xi32, #tpu.memory_space<vmem>>
        %dma_start3A_249 = tpu.memref_squeeze %dma_start3A_248 : memref<1x400xi32, #tpu.memory_space<vmem>> -> memref<400xi32, #tpu.memory_space<vmem>>
        %dma_start3A_250 = tpu.memref_slice %arg2[%add3A_241] : memref<819200xi32, #tpu.memory_space<hbm>> -> memref<400xi32, #tpu.memory_space<hbm>>
        tpu.enqueue_dma source(%dma_start3A_250 : memref<400xi32, #tpu.memory_space<hbm>>) target(%dma_start3A_249 : memref<400xi32, #tpu.memory_space<vmem>>) target_semaphore(%arg10 : memref<!tpu.dma_semaphore, #tpu.memory_space<semaphore_mem>>)
      } else {
      }
      %ge3A = arith.constant 2 : i32
      %ge3A_133 = arith.cmpi sge, %add3A_103, %ge3A : i32
      %convert_element_type3A_134 = arith.extui %ge3A_133 : i1 to i32
      %cond3A_135 = arith.constant 0 : i32
      %cond3A_136 = arith.cmpi ne, %convert_element_type3A_134, %cond3A_135 : i32
      scf.if %cond3A_136 {
        %mul3A_240 = arith.constant 2 : i32
        %mul3A_241 = arith.muli %add3A_103, %mul3A_240 : i32
        %add3A_242 = arith.addi %mul3A_4, %mul3A_241 : i32
        %dma_wait3A_243 = arith.constant 0 : i32
        %dma_wait3A_244 = arith.constant 0 : i32
        %dma_wait3A_245 = arith.constant 0 : i32
        %dma_wait3A_246 = arith.constant 0 : i32
        %dma_wait3A_247 = tpu.memref_slice %arg8[%dma_wait3A_243, %dma_wait3A_244, %dma_wait3A_245, %dma_wait3A_246] : memref<2x2x200x64xf32, #tpu.memory_space<vmem>> -> memref<1x2x200x64xf32, #tpu.memory_space<vmem>>
        %dma_wait3A_248 = tpu.memref_squeeze %dma_wait3A_247 : memref<1x2x200x64xf32, #tpu.memory_space<vmem>> -> memref<2x200x64xf32, #tpu.memory_space<vmem>>
        %dma_wait3A_249 = arith.constant 0 : i32
        %dma_wait3A_250 = arith.constant 0 : i32
        %dma_wait3A_251 = tpu.memref_slice %arg5[%add3A_242, %dma_wait3A_249, %dma_wait3A_250] : memref<4096x200x128xf32, #tpu.memory_space<hbm>> -> memref<2x200x64xf32, #tpu.memory_space<hbm>>
        %dma_wait3A_252 = arith.constant 0 : i32
        %dma_wait3A_253 = arith.constant 0 : i32
        %dma_wait3A_254 = tpu.memref_slice %arg5[%add3A_242, %dma_wait3A_252, %dma_wait3A_253] : memref<4096x200x128xf32, #tpu.memory_space<hbm>> -> memref<2x200x64xf32, #tpu.memory_space<hbm>>
        %dma_wait3A_255 = arith.constant 0 : i32
        %dma_wait3A_256 = arith.constant 0 : i32
        %dma_wait3A_257 = arith.constant 0 : i32
        %dma_wait3A_258 = tpu.memref_slice %arg8[%dma_wait3A_243, %dma_wait3A_255, %dma_wait3A_256, %dma_wait3A_257] : memref<2x2x200x64xf32, #tpu.memory_space<vmem>> -> memref<1x2x200x64xf32, #tpu.memory_space<vmem>>
        %dma_wait3A_259 = tpu.memref_squeeze %dma_wait3A_258 : memref<1x2x200x64xf32, #tpu.memory_space<vmem>> -> memref<2x200x64xf32, #tpu.memory_space<vmem>>
        tpu.wait_dma2 semaphore(%arg14 : memref<!tpu.dma_semaphore, #tpu.memory_space<semaphore_mem>>) src(%dma_wait3A_259 : memref<2x200x64xf32, #tpu.memory_space<vmem>>) dst(%dma_wait3A_254 : memref<2x200x64xf32, #tpu.memory_space<hbm>>)
      } else {
      }
      %scan3A_137 = arith.constant 0 : i32
      %scan3A_138 = arith.constant 0 : i32
      %scan3A_139 = arith.constant 200 : i32
      %scan3A_140 = arith.addi %scan3A_138, %scan3A_139 : i32
      %scan3A_141 = arith.constant 2 : i32
      scf.for %scan3A_240 = %scan3A_138 to %scan3A_140 step %scan3A_141  : i32 {
        %get3A = arith.index_cast %scan3A_240 : i32 to index
        %get3A_241 = arith.constant 0 : index
        %get3A_242 = tpu.vector_load %arg9[%get3A, %get3A_241] {strides = array<i32>} : memref<200x64xf32, #tpu.memory_space<vmem>>, vector<1x16xf32>,
        %get3A_243 = vector.shape_cast %get3A_242 : vector<1x16xf32> to vector<16xf32>
        %add3A_244 = arith.constant 0 : i32
        %add3A_245 = arith.addi %add3A_244, %scan3A_240 : i32
        %get3A_246 = arith.constant 0 : i32
        %get3A_247 = arith.index_cast %get3A_246 : i32 to index
        %get3A_248 = arith.index_cast %add3A_245 : i32 to index
        %get3A_249 = arith.constant 0 : index
        %get3A_250 = tpu.vector_load %arg7[%get3A_247, %get3A_248, %get3A_249] {strides = array<i32>} : memref<2x400x64xf32, #tpu.memory_space<vmem>>, vector<1x1x16xf32>,
        %get3A_251 = vector.shape_cast %get3A_250 : vector<1x1x16xf32> to vector<16xf32>
        %mul3A_252 = arith.constant 8.000000e+00 : f32
        %mul3A_253 = vector.broadcast %mul3A_252 : f32 to vector<16xf32>
        %mul3A_254 = arith.mulf %get3A_251, %mul3A_253 : vector<16xf32>
        %add3A_255 = arith.addf %mul3A_254, %get3A_243 : vector<16xf32>
        %swap3A = arith.constant 0 : i32
        %swap3A_256 = arith.constant 0 : i32
        %swap3A_257 = arith.index_cast %swap3A : i32 to index
        %swap3A_258 = arith.index_cast %swap3A_256 : i32 to index
        %swap3A_259 = arith.index_cast %scan3A_240 : i32 to index
        %swap3A_260 = arith.constant 0 : index
        %swap3A_261 = tpu.vector_load %arg8[%swap3A_257, %swap3A_258, %swap3A_259, %swap3A_260] {strides = array<i32>} : memref<2x2x200x64xf32, #tpu.memory_space<vmem>>, vector<1x1x1x16xf32>,
        %swap3A_262 = vector.shape_cast %swap3A_261 : vector<1x1x1x16xf32> to vector<16xf32>
        %swap3A_263 = vector.shape_cast %add3A_255 : vector<16xf32> to vector<1x1x1x16xf32>
        tpu.vector_store %arg8[%swap3A_257, %swap3A_258, %swap3A_259, %swap3A_260], %swap3A_263 {strides = array<i32>} : memref<2x2x200x64xf32, #tpu.memory_space<vmem>>, vector<1x1x1x16xf32>,
        %add3A_264 = arith.constant 200 : i32
        %add3A_265 = arith.addi %add3A_264, %scan3A_240 : i32
        %get3A_266 = arith.constant 0 : i32
        %get3A_267 = arith.index_cast %get3A_266 : i32 to index
        %get3A_268 = arith.index_cast %add3A_265 : i32 to index
        %get3A_269 = arith.constant 0 : index
        %get3A_270 = tpu.vector_load %arg7[%get3A_267, %get3A_268, %get3A_269] {strides = array<i32>} : memref<2x400x64xf32, #tpu.memory_space<vmem>>, vector<1x1x16xf32>,
        %get3A_271 = vector.shape_cast %get3A_270 : vector<1x1x16xf32> to vector<16xf32>
        %mul3A_272 = arith.constant 8.000000e+00 : f32
        %mul3A_273 = vector.broadcast %mul3A_272 : f32 to vector<16xf32>
        %mul3A_274 = arith.mulf %get3A_271, %mul3A_273 : vector<16xf32>
        %add3A_275 = arith.addf %mul3A_274, %get3A_243 : vector<16xf32>
        %swap3A_276 = arith.constant 0 : i32
        %swap3A_277 = arith.constant 1 : i32
        %swap3A_278 = arith.index_cast %swap3A_276 : i32 to index
        %swap3A_279 = arith.index_cast %swap3A_277 : i32 to index
        %swap3A_280 = arith.index_cast %scan3A_240 : i32 to index
        %swap3A_281 = arith.constant 0 : index
        %swap3A_282 = tpu.vector_load %arg8[%swap3A_278, %swap3A_279, %swap3A_280, %swap3A_281] {strides = array<i32>} : memref<2x2x200x64xf32, #tpu.memory_space<vmem>>, vector<1x1x1x16xf32>,
        %swap3A_283 = vector.shape_cast %swap3A_282 : vector<1x1x1x16xf32> to vector<16xf32>
        %swap3A_284 = vector.shape_cast %add3A_275 : vector<16xf32> to vector<1x1x1x16xf32>
        tpu.vector_store %arg8[%swap3A_278, %swap3A_279, %swap3A_280, %swap3A_281], %swap3A_284 {strides = array<i32>} : memref<2x2x200x64xf32, #tpu.memory_space<vmem>>, vector<1x1x1x16xf32>,
        %get3A_285 = arith.index_cast %scan3A_240 : i32 to index
        %get3A_286 = arith.constant 16 : index
        %get3A_287 = tpu.vector_load %arg9[%get3A_285, %get3A_286] {strides = array<i32>} : memref<200x64xf32, #tpu.memory_space<vmem>>, vector<1x16xf32>,
        %get3A_288 = vector.shape_cast %get3A_287 : vector<1x16xf32> to vector<16xf32>
        %add3A_289 = arith.constant 0 : i32
        %add3A_290 = arith.addi %add3A_289, %scan3A_240 : i32
        %get3A_291 = arith.constant 0 : i32
        %get3A_292 = arith.index_cast %get3A_291 : i32 to index
        %get3A_293 = arith.index_cast %add3A_290 : i32 to index
        %get3A_294 = arith.constant 16 : index
        %get3A_295 = tpu.vector_load %arg7[%get3A_292, %get3A_293, %get3A_294] {strides = array<i32>} : memref<2x400x64xf32, #tpu.memory_space<vmem>>, vector<1x1x16xf32>,
        %get3A_296 = vector.shape_cast %get3A_295 : vector<1x1x16xf32> to vector<16xf32>
        %mul3A_297 = arith.constant 8.000000e+00 : f32
        %mul3A_298 = vector.broadcast %mul3A_297 : f32 to vector<16xf32>
        %mul3A_299 = arith.mulf %get3A_296, %mul3A_298 : vector<16xf32>
        %add3A_300 = arith.addf %mul3A_299, %get3A_288 : vector<16xf32>
        %swap3A_301 = arith.constant 0 : i32
        %swap3A_302 = arith.constant 0 : i32
        %swap3A_303 = arith.index_cast %swap3A_301 : i32 to index
        %swap3A_304 = arith.index_cast %swap3A_302 : i32 to index
        %swap3A_305 = arith.index_cast %scan3A_240 : i32 to index
        %swap3A_306 = arith.constant 16 : index
        %swap3A_307 = tpu.vector_load %arg8[%swap3A_303, %swap3A_304, %swap3A_305, %swap3A_306] {strides = array<i32>} : memref<2x2x200x64xf32, #tpu.memory_space<vmem>>, vector<1x1x1x16xf32>,
        %swap3A_308 = vector.shape_cast %swap3A_307 : vector<1x1x1x16xf32> to vector<16xf32>
        %swap3A_309 = vector.shape_cast %add3A_300 : vector<16xf32> to vector<1x1x1x16xf32>
        tpu.vector_store %arg8[%swap3A_303, %swap3A_304, %swap3A_305, %swap3A_306], %swap3A_309 {strides = array<i32>} : memref<2x2x200x64xf32, #tpu.memory_space<vmem>>, vector<1x1x1x16xf32>,
        %add3A_310 = arith.constant 200 : i32
        %add3A_311 = arith.addi %add3A_310, %scan3A_240 : i32
        %get3A_312 = arith.constant 0 : i32
        %get3A_313 = arith.index_cast %get3A_312 : i32 to index
        %get3A_314 = arith.index_cast %add3A_311 : i32 to index
        %get3A_315 = arith.constant 16 : index
        %get3A_316 = tpu.vector_load %arg7[%get3A_313, %get3A_314, %get3A_315] {strides = array<i32>} : memref<2x400x64xf32, #tpu.memory_space<vmem>>, vector<1x1x16xf32>,
        %get3A_317 = vector.shape_cast %get3A_316 : vector<1x1x16xf32> to vector<16xf32>
        %mul3A_318 = arith.constant 8.000000e+00 : f32
        %mul3A_319 = vector.broadcast %mul3A_318 : f32 to vector<16xf32>
        %mul3A_320 = arith.mulf %get3A_317, %mul3A_319 : vector<16xf32>
        %add3A_321 = arith.addf %mul3A_320, %get3A_288 : vector<16xf32>
        %swap3A_322 = arith.constant 0 : i32
        %swap3A_323 = arith.constant 1 : i32
        %swap3A_324 = arith.index_cast %swap3A_322 : i32 to index
        %swap3A_325 = arith.index_cast %swap3A_323 : i32 to index
        %swap3A_326 = arith.index_cast %scan3A_240 : i32 to index
        %swap3A_327 = arith.constant 16 : index
        %swap3A_328 = tpu.vector_load %arg8[%swap3A_324, %swap3A_325, %swap3A_326, %swap3A_327] {strides = array<i32>} : memref<2x2x200x64xf32, #tpu.memory_space<vmem>>, vector<1x1x1x16xf32>,
        %swap3A_329 = vector.shape_cast %swap3A_328 : vector<1x1x1x16xf32> to vector<16xf32>
        %swap3A_330 = vector.shape_cast %add3A_321 : vector<16xf32> to vector<1x1x1x16xf32>
        tpu.vector_store %arg8[%swap3A_324, %swap3A_325, %swap3A_326, %swap3A_327], %swap3A_330 {strides = array<i32>} : memref<2x2x200x64xf32, #tpu.memory_space<vmem>>, vector<1x1x1x16xf32>,
        %get3A_331 = arith.index_cast %scan3A_240 : i32 to index
        %get3A_332 = arith.constant 32 : index
        %get3A_333 = tpu.vector_load %arg9[%get3A_331, %get3A_332] {strides = array<i32>} : memref<200x64xf32, #tpu.memory_space<vmem>>, vector<1x16xf32>,
        %get3A_334 = vector.shape_cast %get3A_333 : vector<1x16xf32> to vector<16xf32>
        %add3A_335 = arith.constant 0 : i32
        %add3A_336 = arith.addi %add3A_335, %scan3A_240 : i32
        %get3A_337 = arith.constant 0 : i32
        %get3A_338 = arith.index_cast %get3A_337 : i32 to index
        %get3A_339 = arith.index_cast %add3A_336 : i32 to index
        %get3A_340 = arith.constant 32 : index
        %get3A_341 = tpu.vector_load %arg7[%get3A_338, %get3A_339, %get3A_340] {strides = array<i32>} : memref<2x400x64xf32, #tpu.memory_space<vmem>>, vector<1x1x16xf32>,
        %get3A_342 = vector.shape_cast %get3A_341 : vector<1x1x16xf32> to vector<16xf32>
        %mul3A_343 = arith.constant 8.000000e+00 : f32
        %mul3A_344 = vector.broadcast %mul3A_343 : f32 to vector<16xf32>
        %mul3A_345 = arith.mulf %get3A_342, %mul3A_344 : vector<16xf32>
        %add3A_346 = arith.addf %mul3A_345, %get3A_334 : vector<16xf32>
        %swap3A_347 = arith.constant 0 : i32
        %swap3A_348 = arith.constant 0 : i32
        %swap3A_349 = arith.index_cast %swap3A_347 : i32 to index
        %swap3A_350 = arith.index_cast %swap3A_348 : i32 to index
        %swap3A_351 = arith.index_cast %scan3A_240 : i32 to index
        %swap3A_352 = arith.constant 32 : index
        %swap3A_353 = tpu.vector_load %arg8[%swap3A_349, %swap3A_350, %swap3A_351, %swap3A_352] {strides = array<i32>} : memref<2x2x200x64xf32, #tpu.memory_space<vmem>>, vector<1x1x1x16xf32>,
        %swap3A_354 = vector.shape_cast %swap3A_353 : vector<1x1x1x16xf32> to vector<16xf32>
        %swap3A_355 = vector.shape_cast %add3A_346 : vector<16xf32> to vector<1x1x1x16xf32>
        tpu.vector_store %arg8[%swap3A_349, %swap3A_350, %swap3A_351, %swap3A_352], %swap3A_355 {strides = array<i32>} : memref<2x2x200x64xf32, #tpu.memory_space<vmem>>, vector<1x1x1x16xf32>,
        %add3A_356 = arith.constant 200 : i32
        %add3A_357 = arith.addi %add3A_356, %scan3A_240 : i32
        %get3A_358 = arith.constant 0 : i32
        %get3A_359 = arith.index_cast %get3A_358 : i32 to index
        %get3A_360 = arith.index_cast %add3A_357 : i32 to index
        %get3A_361 = arith.constant 32 : index
        %get3A_362 = tpu.vector_load %arg7[%get3A_359, %get3A_360, %get3A_361] {strides = array<i32>} : memref<2x400x64xf32, #tpu.memory_space<vmem>>, vector<1x1x16xf32>,
        %get3A_363 = vector.shape_cast %get3A_362 : vector<1x1x16xf32> to vector<16xf32>
        %mul3A_364 = arith.constant 8.000000e+00 : f32
        %mul3A_365 = vector.broadcast %mul3A_364 : f32 to vector<16xf32>
        %mul3A_366 = arith.mulf %get3A_363, %mul3A_365 : vector<16xf32>
        %add3A_367 = arith.addf %mul3A_366, %get3A_334 : vector<16xf32>
        %swap3A_368 = arith.constant 0 : i32
        %swap3A_369 = arith.constant 1 : i32
        %swap3A_370 = arith.index_cast %swap3A_368 : i32 to index
        %swap3A_371 = arith.index_cast %swap3A_369 : i32 to index
        %swap3A_372 = arith.index_cast %scan3A_240 : i32 to index
        %swap3A_373 = arith.constant 32 : index
        %swap3A_374 = tpu.vector_load %arg8[%swap3A_370, %swap3A_371, %swap3A_372, %swap3A_373] {strides = array<i32>} : memref<2x2x200x64xf32, #tpu.memory_space<vmem>>, vector<1x1x1x16xf32>,
        %swap3A_375 = vector.shape_cast %swap3A_374 : vector<1x1x1x16xf32> to vector<16xf32>
        %swap3A_376 = vector.shape_cast %add3A_367 : vector<16xf32> to vector<1x1x1x16xf32>
        tpu.vector_store %arg8[%swap3A_370, %swap3A_371, %swap3A_372, %swap3A_373], %swap3A_376 {strides = array<i32>} : memref<2x2x200x64xf32, #tpu.memory_space<vmem>>, vector<1x1x1x16xf32>,
        %get3A_377 = arith.index_cast %scan3A_240 : i32 to index
        %get3A_378 = arith.constant 48 : index
        %get3A_379 = tpu.vector_load %arg9[%get3A_377, %get3A_378] {strides = array<i32>} : memref<200x64xf32, #tpu.memory_space<vmem>>, vector<1x16xf32>,
        %get3A_380 = vector.shape_cast %get3A_379 : vector<1x16xf32> to vector<16xf32>
        %add3A_381 = arith.constant 0 : i32
        %add3A_382 = arith.addi %add3A_381, %scan3A_240 : i32
        %get3A_383 = arith.constant 0 : i32
        %get3A_384 = arith.index_cast %get3A_383 : i32 to index
        %get3A_385 = arith.index_cast %add3A_382 : i32 to index
        %get3A_386 = arith.constant 48 : index
        %get3A_387 = tpu.vector_load %arg7[%get3A_384, %get3A_385, %get3A_386] {strides = array<i32>} : memref<2x400x64xf32, #tpu.memory_space<vmem>>, vector<1x1x16xf32>,
        %get3A_388 = vector.shape_cast %get3A_387 : vector<1x1x16xf32> to vector<16xf32>
        %mul3A_389 = arith.constant 8.000000e+00 : f32
        %mul3A_390 = vector.broadcast %mul3A_389 : f32 to vector<16xf32>
        %mul3A_391 = arith.mulf %get3A_388, %mul3A_390 : vector<16xf32>
        %add3A_392 = arith.addf %mul3A_391, %get3A_380 : vector<16xf32>
        %swap3A_393 = arith.constant 0 : i32
        %swap3A_394 = arith.constant 0 : i32
        %swap3A_395 = arith.index_cast %swap3A_393 : i32 to index
        %swap3A_396 = arith.index_cast %swap3A_394 : i32 to index
        %swap3A_397 = arith.index_cast %scan3A_240 : i32 to index
        %swap3A_398 = arith.constant 48 : index
        %swap3A_399 = tpu.vector_load %arg8[%swap3A_395, %swap3A_396, %swap3A_397, %swap3A_398] {strides = array<i32>} : memref<2x2x200x64xf32, #tpu.memory_space<vmem>>, vector<1x1x1x16xf32>,
        %swap3A_400 = vector.shape_cast %swap3A_399 : vector<1x1x1x16xf32> to vector<16xf32>
        %swap3A_401 = vector.shape_cast %add3A_392 : vector<16xf32> to vector<1x1x1x16xf32>
        tpu.vector_store %arg8[%swap3A_395, %swap3A_396, %swap3A_397, %swap3A_398], %swap3A_401 {strides = array<i32>} : memref<2x2x200x64xf32, #tpu.memory_space<vmem>>, vector<1x1x1x16xf32>,
        %add3A_402 = arith.constant 200 : i32
        %add3A_403 = arith.addi %add3A_402, %scan3A_240 : i32
        %get3A_404 = arith.constant 0 : i32
        %get3A_405 = arith.index_cast %get3A_404 : i32 to index
        %get3A_406 = arith.index_cast %add3A_403 : i32 to index
        %get3A_407 = arith.constant 48 : index
        %get3A_408 = tpu.vector_load %arg7[%get3A_405, %get3A_406, %get3A_407] {strides = array<i32>} : memref<2x400x64xf32, #tpu.memory_space<vmem>>, vector<1x1x16xf32>,
        %get3A_409 = vector.shape_cast %get3A_408 : vector<1x1x16xf32> to vector<16xf32>
        %mul3A_410 = arith.constant 8.000000e+00 : f32
        %mul3A_411 = vector.broadcast %mul3A_410 : f32 to vector<16xf32>
        %mul3A_412 = arith.mulf %get3A_409, %mul3A_411 : vector<16xf32>
        %add3A_413 = arith.addf %mul3A_412, %get3A_380 : vector<16xf32>
        %swap3A_414 = arith.constant 0 : i32
        %swap3A_415 = arith.constant 1 : i32
        %swap3A_416 = arith.index_cast %swap3A_414 : i32 to index
        %swap3A_417 = arith.index_cast %swap3A_415 : i32 to index
        %swap3A_418 = arith.index_cast %scan3A_240 : i32 to index
        %swap3A_419 = arith.constant 48 : index
        %swap3A_420 = tpu.vector_load %arg8[%swap3A_416, %swap3A_417, %swap3A_418, %swap3A_419] {strides = array<i32>} : memref<2x2x200x64xf32, #tpu.memory_space<vmem>>, vector<1x1x1x16xf32>,
        %swap3A_421 = vector.shape_cast %swap3A_420 : vector<1x1x1x16xf32> to vector<16xf32>
        %swap3A_422 = vector.shape_cast %add3A_413 : vector<16xf32> to vector<1x1x1x16xf32>
        tpu.vector_store %arg8[%swap3A_416, %swap3A_417, %swap3A_418, %swap3A_419], %swap3A_422 {strides = array<i32>} : memref<2x2x200x64xf32, #tpu.memory_space<vmem>>, vector<1x1x1x16xf32>,
        %scan3A_423 = arith.constant 1 : i32
        %scan3A_424 = arith.addi %scan3A_240, %scan3A_423 : i32
        %get3A_425 = arith.index_cast %scan3A_424 : i32 to index
        %get3A_426 = arith.constant 0 : index
        %get3A_427 = tpu.vector_load %arg9[%get3A_425, %get3A_426] {strides = array<i32>} : memref<200x64xf32, #tpu.memory_space<vmem>>, vector<1x16xf32>,
        %get3A_428 = vector.shape_cast %get3A_427 : vector<1x16xf32> to vector<16xf32>
        %add3A_429 = arith.constant 0 : i32
        %add3A_430 = arith.addi %add3A_429, %scan3A_424 : i32
        %get3A_431 = arith.constant 0 : i32
        %get3A_432 = arith.index_cast %get3A_431 : i32 to index
        %get3A_433 = arith.index_cast %add3A_430 : i32 to index
        %get3A_434 = arith.constant 0 : index
        %get3A_435 = tpu.vector_load %arg7[%get3A_432, %get3A_433, %get3A_434] {strides = array<i32>} : memref<2x400x64xf32, #tpu.memory_space<vmem>>, vector<1x1x16xf32>,
        %get3A_436 = vector.shape_cast %get3A_435 : vector<1x1x16xf32> to vector<16xf32>
        %mul3A_437 = arith.constant 8.000000e+00 : f32
        %mul3A_438 = vector.broadcast %mul3A_437 : f32 to vector<16xf32>
        %mul3A_439 = arith.mulf %get3A_436, %mul3A_438 : vector<16xf32>
        %add3A_440 = arith.addf %mul3A_439, %get3A_428 : vector<16xf32>
        %swap3A_441 = arith.constant 0 : i32
        %swap3A_442 = arith.constant 0 : i32
        %swap3A_443 = arith.index_cast %swap3A_441 : i32 to index
        %swap3A_444 = arith.index_cast %swap3A_442 : i32 to index
        %swap3A_445 = arith.index_cast %scan3A_424 : i32 to index
        %swap3A_446 = arith.constant 0 : index
        %swap3A_447 = tpu.vector_load %arg8[%swap3A_443, %swap3A_444, %swap3A_445, %swap3A_446] {strides = array<i32>} : memref<2x2x200x64xf32, #tpu.memory_space<vmem>>, vector<1x1x1x16xf32>,
        %swap3A_448 = vector.shape_cast %swap3A_447 : vector<1x1x1x16xf32> to vector<16xf32>
        %swap3A_449 = vector.shape_cast %add3A_440 : vector<16xf32> to vector<1x1x1x16xf32>
        tpu.vector_store %arg8[%swap3A_443, %swap3A_444, %swap3A_445, %swap3A_446], %swap3A_449 {strides = array<i32>} : memref<2x2x200x64xf32, #tpu.memory_space<vmem>>, vector<1x1x1x16xf32>,
        %add3A_450 = arith.constant 200 : i32
        %add3A_451 = arith.addi %add3A_450, %scan3A_424 : i32
        %get3A_452 = arith.constant 0 : i32
        %get3A_453 = arith.index_cast %get3A_452 : i32 to index
        %get3A_454 = arith.index_cast %add3A_451 : i32 to index
        %get3A_455 = arith.constant 0 : index
        %get3A_456 = tpu.vector_load %arg7[%get3A_453, %get3A_454, %get3A_455] {strides = array<i32>} : memref<2x400x64xf32, #tpu.memory_space<vmem>>, vector<1x1x16xf32>,
        %get3A_457 = vector.shape_cast %get3A_456 : vector<1x1x16xf32> to vector<16xf32>
        %mul3A_458 = arith.constant 8.000000e+00 : f32
        %mul3A_459 = vector.broadcast %mul3A_458 : f32 to vector<16xf32>
        %mul3A_460 = arith.mulf %get3A_457, %mul3A_459 : vector<16xf32>
        %add3A_461 = arith.addf %mul3A_460, %get3A_428 : vector<16xf32>
        %swap3A_462 = arith.constant 0 : i32
        %swap3A_463 = arith.constant 1 : i32
        %swap3A_464 = arith.index_cast %swap3A_462 : i32 to index
        %swap3A_465 = arith.index_cast %swap3A_463 : i32 to index
        %swap3A_466 = arith.index_cast %scan3A_424 : i32 to index
        %swap3A_467 = arith.constant 0 : index
        %swap3A_468 = tpu.vector_load %arg8[%swap3A_464, %swap3A_465, %swap3A_466, %swap3A_467] {strides = array<i32>} : memref<2x2x200x64xf32, #tpu.memory_space<vmem>>, vector<1x1x1x16xf32>,
        %swap3A_469 = vector.shape_cast %swap3A_468 : vector<1x1x1x16xf32> to vector<16xf32>
        %swap3A_470 = vector.shape_cast %add3A_461 : vector<16xf32> to vector<1x1x1x16xf32>
        tpu.vector_store %arg8[%swap3A_464, %swap3A_465, %swap3A_466, %swap3A_467], %swap3A_470 {strides = array<i32>} : memref<2x2x200x64xf32, #tpu.memory_space<vmem>>, vector<1x1x1x16xf32>,
        %get3A_471 = arith.index_cast %scan3A_424 : i32 to index
        %get3A_472 = arith.constant 16 : index
        %get3A_473 = tpu.vector_load %arg9[%get3A_471, %get3A_472] {strides = array<i32>} : memref<200x64xf32, #tpu.memory_space<vmem>>, vector<1x16xf32>,
        %get3A_474 = vector.shape_cast %get3A_473 : vector<1x16xf32> to vector<16xf32>
        %add3A_475 = arith.constant 0 : i32
        %add3A_476 = arith.addi %add3A_475, %scan3A_424 : i32
        %get3A_477 = arith.constant 0 : i32
        %get3A_478 = arith.index_cast %get3A_477 : i32 to index
        %get3A_479 = arith.index_cast %add3A_476 : i32 to index
        %get3A_480 = arith.constant 16 : index
        %get3A_481 = tpu.vector_load %arg7[%get3A_478, %get3A_479, %get3A_480] {strides = array<i32>} : memref<2x400x64xf32, #tpu.memory_space<vmem>>, vector<1x1x16xf32>,
        %get3A_482 = vector.shape_cast %get3A_481 : vector<1x1x16xf32> to vector<16xf32>
        %mul3A_483 = arith.constant 8.000000e+00 : f32
        %mul3A_484 = vector.broadcast %mul3A_483 : f32 to vector<16xf32>
        %mul3A_485 = arith.mulf %get3A_482, %mul3A_484 : vector<16xf32>
        %add3A_486 = arith.addf %mul3A_485, %get3A_474 : vector<16xf32>
        %swap3A_487 = arith.constant 0 : i32
        %swap3A_488 = arith.constant 0 : i32
        %swap3A_489 = arith.index_cast %swap3A_487 : i32 to index
        %swap3A_490 = arith.index_cast %swap3A_488 : i32 to index
        %swap3A_491 = arith.index_cast %scan3A_424 : i32 to index
        %swap3A_492 = arith.constant 16 : index
        %swap3A_493 = tpu.vector_load %arg8[%swap3A_489, %swap3A_490, %swap3A_491, %swap3A_492] {strides = array<i32>} : memref<2x2x200x64xf32, #tpu.memory_space<vmem>>, vector<1x1x1x16xf32>,
        %swap3A_494 = vector.shape_cast %swap3A_493 : vector<1x1x1x16xf32> to vector<16xf32>
        %swap3A_495 = vector.shape_cast %add3A_486 : vector<16xf32> to vector<1x1x1x16xf32>
        tpu.vector_store %arg8[%swap3A_489, %swap3A_490, %swap3A_491, %swap3A_492], %swap3A_495 {strides = array<i32>} : memref<2x2x200x64xf32, #tpu.memory_space<vmem>>, vector<1x1x1x16xf32>,
        %add3A_496 = arith.constant 200 : i32
        %add3A_497 = arith.addi %add3A_496, %scan3A_424 : i32
        %get3A_498 = arith.constant 0 : i32
        %get3A_499 = arith.index_cast %get3A_498 : i32 to index
        %get3A_500 = arith.index_cast %add3A_497 : i32 to index
        %get3A_501 = arith.constant 16 : index
        %get3A_502 = tpu.vector_load %arg7[%get3A_499, %get3A_500, %get3A_501] {strides = array<i32>} : memref<2x400x64xf32, #tpu.memory_space<vmem>>, vector<1x1x16xf32>,
        %get3A_503 = vector.shape_cast %get3A_502 : vector<1x1x16xf32> to vector<16xf32>
        %mul3A_504 = arith.constant 8.000000e+00 : f32
        %mul3A_505 = vector.broadcast %mul3A_504 : f32 to vector<16xf32>
        %mul3A_506 = arith.mulf %get3A_503, %mul3A_505 : vector<16xf32>
        %add3A_507 = arith.addf %mul3A_506, %get3A_474 : vector<16xf32>
        %swap3A_508 = arith.constant 0 : i32
        %swap3A_509 = arith.constant 1 : i32
        %swap3A_510 = arith.index_cast %swap3A_508 : i32 to index
        %swap3A_511 = arith.index_cast %swap3A_509 : i32 to index
        %swap3A_512 = arith.index_cast %scan3A_424 : i32 to index
        %swap3A_513 = arith.constant 16 : index
        %swap3A_514 = tpu.vector_load %arg8[%swap3A_510, %swap3A_511, %swap3A_512, %swap3A_513] {strides = array<i32>} : memref<2x2x200x64xf32, #tpu.memory_space<vmem>>, vector<1x1x1x16xf32>,
        %swap3A_515 = vector.shape_cast %swap3A_514 : vector<1x1x1x16xf32> to vector<16xf32>
        %swap3A_516 = vector.shape_cast %add3A_507 : vector<16xf32> to vector<1x1x1x16xf32>
        tpu.vector_store %arg8[%swap3A_510, %swap3A_511, %swap3A_512, %swap3A_513], %swap3A_516 {strides = array<i32>} : memref<2x2x200x64xf32, #tpu.memory_space<vmem>>, vector<1x1x1x16xf32>,
        %get3A_517 = arith.index_cast %scan3A_424 : i32 to index
        %get3A_518 = arith.constant 32 : index
        %get3A_519 = tpu.vector_load %arg9[%get3A_517, %get3A_518] {strides = array<i32>} : memref<200x64xf32, #tpu.memory_space<vmem>>, vector<1x16xf32>,
        %get3A_520 = vector.shape_cast %get3A_519 : vector<1x16xf32> to vector<16xf32>
        %add3A_521 = arith.constant 0 : i32
        %add3A_522 = arith.addi %add3A_521, %scan3A_424 : i32
        %get3A_523 = arith.constant 0 : i32
        %get3A_524 = arith.index_cast %get3A_523 : i32 to index
        %get3A_525 = arith.index_cast %add3A_522 : i32 to index
        %get3A_526 = arith.constant 32 : index
        %get3A_527 = tpu.vector_load %arg7[%get3A_524, %get3A_525, %get3A_526] {strides = array<i32>} : memref<2x400x64xf32, #tpu.memory_space<vmem>>, vector<1x1x16xf32>,
        %get3A_528 = vector.shape_cast %get3A_527 : vector<1x1x16xf32> to vector<16xf32>
        %mul3A_529 = arith.constant 8.000000e+00 : f32
        %mul3A_530 = vector.broadcast %mul3A_529 : f32 to vector<16xf32>
        %mul3A_531 = arith.mulf %get3A_528, %mul3A_530 : vector<16xf32>
        %add3A_532 = arith.addf %mul3A_531, %get3A_520 : vector<16xf32>
        %swap3A_533 = arith.constant 0 : i32
        %swap3A_534 = arith.constant 0 : i32
        %swap3A_535 = arith.index_cast %swap3A_533 : i32 to index
        %swap3A_536 = arith.index_cast %swap3A_534 : i32 to index
        %swap3A_537 = arith.index_cast %scan3A_424 : i32 to index
        %swap3A_538 = arith.constant 32 : index
        %swap3A_539 = tpu.vector_load %arg8[%swap3A_535, %swap3A_536, %swap3A_537, %swap3A_538] {strides = array<i32>} : memref<2x2x200x64xf32, #tpu.memory_space<vmem>>, vector<1x1x1x16xf32>,
        %swap3A_540 = vector.shape_cast %swap3A_539 : vector<1x1x1x16xf32> to vector<16xf32>
        %swap3A_541 = vector.shape_cast %add3A_532 : vector<16xf32> to vector<1x1x1x16xf32>
        tpu.vector_store %arg8[%swap3A_535, %swap3A_536, %swap3A_537, %swap3A_538], %swap3A_541 {strides = array<i32>} : memref<2x2x200x64xf32, #tpu.memory_space<vmem>>, vector<1x1x1x16xf32>,
        %add3A_542 = arith.constant 200 : i32
        %add3A_543 = arith.addi %add3A_542, %scan3A_424 : i32
        %get3A_544 = arith.constant 0 : i32
        %get3A_545 = arith.index_cast %get3A_544 : i32 to index
        %get3A_546 = arith.index_cast %add3A_543 : i32 to index
        %get3A_547 = arith.constant 32 : index
        %get3A_548 = tpu.vector_load %arg7[%get3A_545, %get3A_546, %get3A_547] {strides = array<i32>} : memref<2x400x64xf32, #tpu.memory_space<vmem>>, vector<1x1x16xf32>,
        %get3A_549 = vector.shape_cast %get3A_548 : vector<1x1x16xf32> to vector<16xf32>
        %mul3A_550 = arith.constant 8.000000e+00 : f32
        %mul3A_551 = vector.broadcast %mul3A_550 : f32 to vector<16xf32>
        %mul3A_552 = arith.mulf %get3A_549, %mul3A_551 : vector<16xf32>
        %add3A_553 = arith.addf %mul3A_552, %get3A_520 : vector<16xf32>
        %swap3A_554 = arith.constant 0 : i32
        %swap3A_555 = arith.constant 1 : i32
        %swap3A_556 = arith.index_cast %swap3A_554 : i32 to index
        %swap3A_557 = arith.index_cast %swap3A_555 : i32 to index
        %swap3A_558 = arith.index_cast %scan3A_424 : i32 to index
        %swap3A_559 = arith.constant 32 : index
        %swap3A_560 = tpu.vector_load %arg8[%swap3A_556, %swap3A_557, %swap3A_558, %swap3A_559] {strides = array<i32>} : memref<2x2x200x64xf32, #tpu.memory_space<vmem>>, vector<1x1x1x16xf32>,
        %swap3A_561 = vector.shape_cast %swap3A_560 : vector<1x1x1x16xf32> to vector<16xf32>
        %swap3A_562 = vector.shape_cast %add3A_553 : vector<16xf32> to vector<1x1x1x16xf32>
        tpu.vector_store %arg8[%swap3A_556, %swap3A_557, %swap3A_558, %swap3A_559], %swap3A_562 {strides = array<i32>} : memref<2x2x200x64xf32, #tpu.memory_space<vmem>>, vector<1x1x1x16xf32>,
        %get3A_563 = arith.index_cast %scan3A_424 : i32 to index
        %get3A_564 = arith.constant 48 : index
        %get3A_565 = tpu.vector_load %arg9[%get3A_563, %get3A_564] {strides = array<i32>} : memref<200x64xf32, #tpu.memory_space<vmem>>, vector<1x16xf32>,
        %get3A_566 = vector.shape_cast %get3A_565 : vector<1x16xf32> to vector<16xf32>
        %add3A_567 = arith.constant 0 : i32
        %add3A_568 = arith.addi %add3A_567, %scan3A_424 : i32
        %get3A_569 = arith.constant 0 : i32
        %get3A_570 = arith.index_cast %get3A_569 : i32 to index
        %get3A_571 = arith.index_cast %add3A_568 : i32 to index
        %get3A_572 = arith.constant 48 : index
        %get3A_573 = tpu.vector_load %arg7[%get3A_570, %get3A_571, %get3A_572] {strides = array<i32>} : memref<2x400x64xf32, #tpu.memory_space<vmem>>, vector<1x1x16xf32>,
        %get3A_574 = vector.shape_cast %get3A_573 : vector<1x1x16xf32> to vector<16xf32>
        %mul3A_575 = arith.constant 8.000000e+00 : f32
        %mul3A_576 = vector.broadcast %mul3A_575 : f32 to vector<16xf32>
        %mul3A_577 = arith.mulf %get3A_574, %mul3A_576 : vector<16xf32>
        %add3A_578 = arith.addf %mul3A_577, %get3A_566 : vector<16xf32>
        %swap3A_579 = arith.constant 0 : i32
        %swap3A_580 = arith.constant 0 : i32
        %swap3A_581 = arith.index_cast %swap3A_579 : i32 to index
        %swap3A_582 = arith.index_cast %swap3A_580 : i32 to index
        %swap3A_583 = arith.index_cast %scan3A_424 : i32 to index
        %swap3A_584 = arith.constant 48 : index
        %swap3A_585 = tpu.vector_load %arg8[%swap3A_581, %swap3A_582, %swap3A_583, %swap3A_584] {strides = array<i32>} : memref<2x2x200x64xf32, #tpu.memory_space<vmem>>, vector<1x1x1x16xf32>,
        %swap3A_586 = vector.shape_cast %swap3A_585 : vector<1x1x1x16xf32> to vector<16xf32>
        %swap3A_587 = vector.shape_cast %add3A_578 : vector<16xf32> to vector<1x1x1x16xf32>
        tpu.vector_store %arg8[%swap3A_581, %swap3A_582, %swap3A_583, %swap3A_584], %swap3A_587 {strides = array<i32>} : memref<2x2x200x64xf32, #tpu.memory_space<vmem>>, vector<1x1x1x16xf32>,
        %add3A_588 = arith.constant 200 : i32
        %add3A_589 = arith.addi %add3A_588, %scan3A_424 : i32
        %get3A_590 = arith.constant 0 : i32
        %get3A_591 = arith.index_cast %get3A_590 : i32 to index
        %get3A_592 = arith.index_cast %add3A_589 : i32 to index
        %get3A_593 = arith.constant 48 : index
        %get3A_594 = tpu.vector_load %arg7[%get3A_591, %get3A_592, %get3A_593] {strides = array<i32>} : memref<2x400x64xf32, #tpu.memory_space<vmem>>, vector<1x1x16xf32>,
        %get3A_595 = vector.shape_cast %get3A_594 : vector<1x1x16xf32> to vector<16xf32>
        %mul3A_596 = arith.constant 8.000000e+00 : f32
        %mul3A_597 = vector.broadcast %mul3A_596 : f32 to vector<16xf32>
        %mul3A_598 = arith.mulf %get3A_595, %mul3A_597 : vector<16xf32>
        %add3A_599 = arith.addf %mul3A_598, %get3A_566 : vector<16xf32>
        %swap3A_600 = arith.constant 0 : i32
        %swap3A_601 = arith.constant 1 : i32
        %swap3A_602 = arith.index_cast %swap3A_600 : i32 to index
        %swap3A_603 = arith.index_cast %swap3A_601 : i32 to index
        %swap3A_604 = arith.index_cast %scan3A_424 : i32 to index
        %swap3A_605 = arith.constant 48 : index
        %swap3A_606 = tpu.vector_load %arg8[%swap3A_602, %swap3A_603, %swap3A_604, %swap3A_605] {strides = array<i32>} : memref<2x2x200x64xf32, #tpu.memory_space<vmem>>, vector<1x1x1x16xf32>,
        %swap3A_607 = vector.shape_cast %swap3A_606 : vector<1x1x1x16xf32> to vector<16xf32>
        %swap3A_608 = vector.shape_cast %add3A_599 : vector<16xf32> to vector<1x1x1x16xf32>
        tpu.vector_store %arg8[%swap3A_602, %swap3A_603, %swap3A_604, %swap3A_605], %swap3A_608 {strides = array<i32>} : memref<2x2x200x64xf32, #tpu.memory_space<vmem>>, vector<1x1x1x16xf32>,
      }
      %scan3A_142 = arith.constant 200 : i32
      %mul3A_143 = arith.constant 2 : i32
      %mul3A_144 = arith.muli %add3A_103, %mul3A_143 : i32
      %add3A_145 = arith.addi %mul3A_4, %mul3A_144 : i32
      %dma_start3A_146 = arith.constant 0 : i32
      %dma_start3A_147 = arith.constant 0 : i32
      %dma_start3A_148 = arith.constant 0 : i32
      %dma_start3A_149 = arith.constant 0 : i32
      %dma_start3A_150 = tpu.memref_slice %arg8[%dma_start3A_146, %dma_start3A_147, %dma_start3A_148, %dma_start3A_149] : memref<2x2x200x64xf32, #tpu.memory_space<vmem>> -> memref<1x2x200x64xf32, #tpu.memory_space<vmem>>
      %dma_start3A_151 = tpu.memref_squeeze %dma_start3A_150 : memref<1x2x200x64xf32, #tpu.memory_space<vmem>> -> memref<2x200x64xf32, #tpu.memory_space<vmem>>
      %dma_start3A_152 = arith.constant 0 : i32
      %dma_start3A_153 = arith.constant 0 : i32
      %dma_start3A_154 = tpu.memref_slice %arg5[%add3A_145, %dma_start3A_152, %dma_start3A_153] : memref<4096x200x128xf32, #tpu.memory_space<hbm>> -> memref<2x200x64xf32, #tpu.memory_space<hbm>>
      %dma_start3A_155 = arith.constant 0 : i32
      %dma_start3A_156 = arith.constant 0 : i32
      %dma_start3A_157 = tpu.memref_slice %arg5[%add3A_145, %dma_start3A_155, %dma_start3A_156] : memref<4096x200x128xf32, #tpu.memory_space<hbm>> -> memref<2x200x64xf32, #tpu.memory_space<hbm>>
      %dma_start3A_158 = arith.constant 0 : i32
      %dma_start3A_159 = arith.constant 0 : i32
      %dma_start3A_160 = arith.constant 0 : i32
      %dma_start3A_161 = tpu.memref_slice %arg8[%dma_start3A_146, %dma_start3A_158, %dma_start3A_159, %dma_start3A_160] : memref<2x2x200x64xf32, #tpu.memory_space<vmem>> -> memref<1x2x200x64xf32, #tpu.memory_space<vmem>>
      %dma_start3A_162 = tpu.memref_squeeze %dma_start3A_161 : memref<1x2x200x64xf32, #tpu.memory_space<vmem>> -> memref<2x200x64xf32, #tpu.memory_space<vmem>>
      tpu.enqueue_dma source(%dma_start3A_162 : memref<2x200x64xf32, #tpu.memory_space<vmem>>) target(%dma_start3A_157 : memref<2x200x64xf32, #tpu.memory_space<hbm>>) target_semaphore(%arg14 : memref<!tpu.dma_semaphore, #tpu.memory_space<semaphore_mem>>)
      %lt3A_163 = arith.constant 62 : i32
      %lt3A_164 = arith.cmpi slt, %add3A_103, %lt3A_163 : i32
      %convert_element_type3A_165 = arith.extui %lt3A_164 : i1 to i32
      %cond3A_166 = arith.constant 0 : i32
      %cond3A_167 = arith.cmpi ne, %convert_element_type3A_165, %cond3A_166 : i32
      scf.if %cond3A_167 {
        %add3A_240 = arith.constant 800 : i32
        %add3A_241 = arith.addi %add3A_106, %add3A_240 : i32
        %dma_wait3A_242 = arith.constant 0 : i32
        %dma_wait3A_243 = arith.constant 0 : i32
        %dma_wait3A_244 = tpu.memref_slice %arg6[%dma_wait3A_242, %dma_wait3A_243] : memref<2x400xi32, #tpu.memory_space<vmem>> -> memref<1x400xi32, #tpu.memory_space<vmem>>
        %dma_wait3A_245 = tpu.memref_squeeze %dma_wait3A_244 : memref<1x400xi32, #tpu.memory_space<vmem>> -> memref<400xi32, #tpu.memory_space<vmem>>
        %dma_wait3A_246 = tpu.memref_slice %arg2[%add3A_241] : memref<819200xi32, #tpu.memory_space<hbm>> -> memref<400xi32, #tpu.memory_space<hbm>>
        %dma_wait3A_247 = arith.constant 0 : i32
        %dma_wait3A_248 = tpu.memref_slice %arg6[%dma_wait3A_242, %dma_wait3A_247] : memref<2x400xi32, #tpu.memory_space<vmem>> -> memref<1x400xi32, #tpu.memory_space<vmem>>
        %dma_wait3A_249 = tpu.memref_squeeze %dma_wait3A_248 : memref<1x400xi32, #tpu.memory_space<vmem>> -> memref<400xi32, #tpu.memory_space<vmem>>
        %dma_wait3A_250 = tpu.memref_slice %arg2[%add3A_241] : memref<819200xi32, #tpu.memory_space<hbm>> -> memref<400xi32, #tpu.memory_space<hbm>>
        tpu.wait_dma2 semaphore(%arg10 : memref<!tpu.dma_semaphore, #tpu.memory_space<semaphore_mem>>) src(%dma_wait3A_250 : memref<400xi32, #tpu.memory_space<hbm>>) dst(%dma_wait3A_249 : memref<400xi32, #tpu.memory_space<vmem>>)
        %dma_start3A_251 = arith.constant 0 : i32
        %dma_start3A_252 = arith.constant 0 : i32
        %dma_start3A_253 = arith.constant 0 : i32
        %dma_start3A_254 = arith.constant 0 : i32
        %dma_start3A_255 = tpu.memref_slice %arg7[%dma_start3A_252, %dma_start3A_253, %dma_start3A_254] : memref<2x400x64xf32, #tpu.memory_space<vmem>> -> memref<1x200x64xf32, #tpu.memory_space<vmem>>
        %dma_start3A_256 = tpu.memref_squeeze %dma_start3A_255 : memref<1x200x64xf32, #tpu.memory_space<vmem>> -> memref<200x64xf32, #tpu.memory_space<vmem>>
        %dma_start3A_257 = arith.constant 0 : i32
        %dma_start3A_258 = tpu.memref_slice %arg6[%dma_start3A_251, %dma_start3A_257] : memref<2x400xi32, #tpu.memory_space<vmem>> -> memref<1x200xi32, #tpu.memory_space<vmem>>
        %dma_start3A_259 = tpu.memref_squeeze %dma_start3A_258 : memref<1x200xi32, #tpu.memory_space<vmem>> -> memref<200xi32, #tpu.memory_space<vmem>>
        %dma_start3A_260 = arith.constant 0 : i32
        %dma_start3A_261 = arith.constant 0 : i32
        %dma_start3A_262 = tpu.memref_slice %arg3[%dma_start3A_260, %dma_start3A_261] : memref<1000000x64xf32, #tpu.memory_space<hbm>> -> memref<1000000x64xf32, #tpu.memory_space<hbm>>
        tpu.enqueue_indirect_dma source(%dma_start3A_262 : memref<1000000x64xf32, #tpu.memory_space<hbm>>) target(%dma_start3A_256 : memref<200x64xf32, #tpu.memory_space<vmem>>) offsets(%dma_start3A_259 : memref<200xi32, #tpu.memory_space<vmem>>) semaphore(%arg12 : memref<!tpu.dma_semaphore, #tpu.memory_space<semaphore_mem>>)
        %dma_start3A_263 = arith.constant 0 : i32
        %dma_start3A_264 = arith.constant 0 : i32
        %dma_start3A_265 = arith.constant 200 : i32
        %dma_start3A_266 = arith.constant 0 : i32
        %dma_start3A_267 = tpu.memref_slice %arg7[%dma_start3A_264, %dma_start3A_265, %dma_start3A_266] : memref<2x400x64xf32, #tpu.memory_space<vmem>> -> memref<1x200x64xf32, #tpu.memory_space<vmem>>
        %dma_start3A_268 = tpu.memref_squeeze %dma_start3A_267 : memref<1x200x64xf32, #tpu.memory_space<vmem>> -> memref<200x64xf32, #tpu.memory_space<vmem>>
        %dma_start3A_269 = arith.constant 200 : i32
        %dma_start3A_270 = tpu.memref_slice %arg6[%dma_start3A_263, %dma_start3A_269] : memref<2x400xi32, #tpu.memory_space<vmem>> -> memref<1x200xi32, #tpu.memory_space<vmem>>
        %dma_start3A_271 = tpu.memref_squeeze %dma_start3A_270 : memref<1x200xi32, #tpu.memory_space<vmem>> -> memref<200xi32, #tpu.memory_space<vmem>>
        %dma_start3A_272 = arith.constant 0 : i32
        %dma_start3A_273 = arith.constant 0 : i32
        %dma_start3A_274 = tpu.memref_slice %arg3[%dma_start3A_272, %dma_start3A_273] : memref<1000000x64xf32, #tpu.memory_space<hbm>> -> memref<1000000x64xf32, #tpu.memory_space<hbm>>
        tpu.enqueue_indirect_dma source(%dma_start3A_274 : memref<1000000x64xf32, #tpu.memory_space<hbm>>) target(%dma_start3A_268 : memref<200x64xf32, #tpu.memory_space<vmem>>) offsets(%dma_start3A_271 : memref<200xi32, #tpu.memory_space<vmem>>) semaphore(%arg12 : memref<!tpu.dma_semaphore, #tpu.memory_space<semaphore_mem>>)
      } else {
      }
      %mul3A_168 = arith.constant 2 : i32
      %mul3A_169 = arith.muli %mul3A_168, %scan3A_99 : i32
      %add3A_170 = arith.constant 1 : i32
      %add3A_171 = arith.addi %mul3A_169, %add3A_170 : i32
      %mul3A_172 = arith.constant 400 : i32
      %mul3A_173 = arith.muli %add3A_171, %mul3A_172 : i32
      %add3A_174 = arith.addi %mul3A_2, %mul3A_173 : i32
      %dma_wait3A_175 = arith.constant 1 : i32
      %dma_wait3A_176 = arith.constant 1 : i32
      %dma_wait3A_177 = arith.constant 0 : i32
      %dma_wait3A_178 = arith.constant 0 : i32
      %dma_wait3A_179 = tpu.memref_slice %arg7[%dma_wait3A_176, %dma_wait3A_177, %dma_wait3A_178] : memref<2x400x64xf32, #tpu.memory_space<vmem>> -> memref<1x200x64xf32, #tpu.memory_space<vmem>>
      %dma_wait3A_180 = tpu.memref_squeeze %dma_wait3A_179 : memref<1x200x64xf32, #tpu.memory_space<vmem>> -> memref<200x64xf32, #tpu.memory_space<vmem>>
      %dma_wait3A_181 = arith.constant 0 : i32
      %dma_wait3A_182 = tpu.memref_slice %arg6[%dma_wait3A_175, %dma_wait3A_181] : memref<2x400xi32, #tpu.memory_space<vmem>> -> memref<1x200xi32, #tpu.memory_space<vmem>>
      %dma_wait3A_183 = tpu.memref_squeeze %dma_wait3A_182 : memref<1x200xi32, #tpu.memory_space<vmem>> -> memref<200xi32, #tpu.memory_space<vmem>>
      %dma_wait3A_184 = arith.constant 0 : i32
      %dma_wait3A_185 = arith.constant 0 : i32
      %dma_wait3A_186 = tpu.memref_slice %arg3[%dma_wait3A_184, %dma_wait3A_185] : memref<1000000x64xf32, #tpu.memory_space<hbm>> -> memref<1000000x64xf32, #tpu.memory_space<hbm>>
      tpu.wait_indirect_dma semaphore(%arg13 : memref<!tpu.dma_semaphore, #tpu.memory_space<semaphore_mem>>) src(%dma_wait3A_186 : memref<1000000x64xf32, #tpu.memory_space<hbm>>) dst(%dma_wait3A_180 : memref<200x64xf32, #tpu.memory_space<vmem>>)
      %dma_wait3A_187 = arith.constant 1 : i32
      %dma_wait3A_188 = arith.constant 1 : i32
      %dma_wait3A_189 = arith.constant 200 : i32
      %dma_wait3A_190 = arith.constant 0 : i32
      %dma_wait3A_191 = tpu.memref_slice %arg7[%dma_wait3A_188, %dma_wait3A_189, %dma_wait3A_190] : memref<2x400x64xf32, #tpu.memory_space<vmem>> -> memref<1x200x64xf32, #tpu.memory_space<vmem>>
      %dma_wait3A_192 = tpu.memref_squeeze %dma_wait3A_191 : memref<1x200x64xf32, #tpu.memory_space<vmem>> -> memref<200x64xf32, #tpu.memory_space<vmem>>
      %dma_wait3A_193 = arith.constant 200 : i32
      %dma_wait3A_194 = tpu.memref_slice %arg6[%dma_wait3A_187, %dma_wait3A_193] : memref<2x400xi32, #tpu.memory_space<vmem>> -> memref<1x200xi32, #tpu.memory_space<vmem>>
      %dma_wait3A_195 = tpu.memref_squeeze %dma_wait3A_194 : memref<1x200xi32, #tpu.memory_space<vmem>> -> memref<200xi32, #tpu.memory_space<vmem>>
      %dma_wait3A_196 = arith.constant 0 : i32
      %dma_wait3A_197 = arith.constant 0 : i32
      %dma_wait3A_198 = tpu.memref_slice %arg3[%dma_wait3A_196, %dma_wait3A_197] : memref<1000000x64xf32, #tpu.memory_space<hbm>> -> memref<1000000x64xf32, #tpu.memory_space<hbm>>
      tpu.wait_indirect_dma semaphore(%arg13 : memref<!tpu.dma_semaphore, #tpu.memory_space<semaphore_mem>>) src(%dma_wait3A_198 : memref<1000000x64xf32, #tpu.memory_space<hbm>>) dst(%dma_wait3A_192 : memref<200x64xf32, #tpu.memory_space<vmem>>)
      %lt3A_199 = arith.constant 62 : i32
      %lt3A_200 = arith.cmpi slt, %add3A_171, %lt3A_199 : i32
      %convert_element_type3A_201 = arith.extui %lt3A_200 : i1 to i32
      %cond3A_202 = arith.constant 0 : i32
      %cond3A_203 = arith.cmpi ne, %convert_element_type3A_201, %cond3A_202 : i32
      scf.if %cond3A_203 {
        %add3A_240 = arith.constant 800 : i32
        %add3A_241 = arith.addi %add3A_174, %add3A_240 : i32
        %dma_start3A_242 = arith.constant 1 : i32
        %dma_start3A_243 = arith.constant 0 : i32
        %dma_start3A_244 = tpu.memref_slice %arg6[%dma_start3A_242, %dma_start3A_243] : memref<2x400xi32, #tpu.memory_space<vmem>> -> memref<1x400xi32, #tpu.memory_space<vmem>>
        %dma_start3A_245 = tpu.memref_squeeze %dma_start3A_244 : memref<1x400xi32, #tpu.memory_space<vmem>> -> memref<400xi32, #tpu.memory_space<vmem>>
        %dma_start3A_246 = tpu.memref_slice %arg2[%add3A_241] : memref<819200xi32, #tpu.memory_space<hbm>> -> memref<400xi32, #tpu.memory_space<hbm>>
        %dma_start3A_247 = arith.constant 0 : i32
        %dma_start3A_248 = tpu.memref_slice %arg6[%dma_start3A_242, %dma_start3A_247] : memref<2x400xi32, #tpu.memory_space<vmem>> -> memref<1x400xi32, #tpu.memory_space<vmem>>
        %dma_start3A_249 = tpu.memref_squeeze %dma_start3A_248 : memref<1x400xi32, #tpu.memory_space<vmem>> -> memref<400xi32, #tpu.memory_space<vmem>>
        %dma_start3A_250 = tpu.memref_slice %arg2[%add3A_241] : memref<819200xi32, #tpu.memory_space<hbm>> -> memref<400xi32, #tpu.memory_space<hbm>>
        tpu.enqueue_dma source(%dma_start3A_250 : memref<400xi32, #tpu.memory_space<hbm>>) target(%dma_start3A_249 : memref<400xi32, #tpu.memory_space<vmem>>) target_semaphore(%arg11 : memref<!tpu.dma_semaphore, #tpu.memory_space<semaphore_mem>>)
      } else {
      }
      %ge3A_204 = arith.constant 2 : i32
      %ge3A_205 = arith.cmpi sge, %add3A_171, %ge3A_204 : i32
      %convert_element_type3A_206 = arith.extui %ge3A_205 : i1 to i32
      %cond3A_207 = arith.constant 0 : i32
      %cond3A_208 = arith.cmpi ne, %convert_element_type3A_206, %cond3A_207 : i32
      scf.if %cond3A_208 {
        %mul3A_240 = arith.constant 2 : i32
        %mul3A_241 = arith.muli %add3A_171, %mul3A_240 : i32
        %add3A_242 = arith.addi %mul3A_4, %mul3A_241 : i32
        %dma_wait3A_243 = arith.constant 1 : i32
        %dma_wait3A_244 = arith.constant 0 : i32
        %dma_wait3A_245 = arith.constant 0 : i32
        %dma_wait3A_246 = arith.constant 0 : i32
        %dma_wait3A_247 = tpu.memref_slice %arg8[%dma_wait3A_243, %dma_wait3A_244, %dma_wait3A_245, %dma_wait3A_246] : memref<2x2x200x64xf32, #tpu.memory_space<vmem>> -> memref<1x2x200x64xf32, #tpu.memory_space<vmem>>
        %dma_wait3A_248 = tpu.memref_squeeze %dma_wait3A_247 : memref<1x2x200x64xf32, #tpu.memory_space<vmem>> -> memref<2x200x64xf32, #tpu.memory_space<vmem>>
        %dma_wait3A_249 = arith.constant 0 : i32
        %dma_wait3A_250 = arith.constant 0 : i32
        %dma_wait3A_251 = tpu.memref_slice %arg5[%add3A_242, %dma_wait3A_249, %dma_wait3A_250] : memref<4096x200x128xf32, #tpu.memory_space<hbm>> -> memref<2x200x64xf32, #tpu.memory_space<hbm>>
        %dma_wait3A_252 = arith.constant 0 : i32
        %dma_wait3A_253 = arith.constant 0 : i32
        %dma_wait3A_254 = tpu.memref_slice %arg5[%add3A_242, %dma_wait3A_252, %dma_wait3A_253] : memref<4096x200x128xf32, #tpu.memory_space<hbm>> -> memref<2x200x64xf32, #tpu.memory_space<hbm>>
        %dma_wait3A_255 = arith.constant 0 : i32
        %dma_wait3A_256 = arith.constant 0 : i32
        %dma_wait3A_257 = arith.constant 0 : i32
        %dma_wait3A_258 = tpu.memref_slice %arg8[%dma_wait3A_243, %dma_wait3A_255, %dma_wait3A_256, %dma_wait3A_257] : memref<2x2x200x64xf32, #tpu.memory_space<vmem>> -> memref<1x2x200x64xf32, #tpu.memory_space<vmem>>
        %dma_wait3A_259 = tpu.memref_squeeze %dma_wait3A_258 : memref<1x2x200x64xf32, #tpu.memory_space<vmem>> -> memref<2x200x64xf32, #tpu.memory_space<vmem>>
        tpu.wait_dma2 semaphore(%arg15 : memref<!tpu.dma_semaphore, #tpu.memory_space<semaphore_mem>>) src(%dma_wait3A_259 : memref<2x200x64xf32, #tpu.memory_space<vmem>>) dst(%dma_wait3A_254 : memref<2x200x64xf32, #tpu.memory_space<hbm>>)
      } else {
      }
      %scan3A_209 = arith.constant 0 : i32
      %scan3A_210 = arith.constant 0 : i32
      %scan3A_211 = arith.constant 200 : i32
      %scan3A_212 = arith.addi %scan3A_210, %scan3A_211 : i32
      %scan3A_213 = arith.constant 2 : i32
      scf.for %scan3A_240 = %scan3A_210 to %scan3A_212 step %scan3A_213  : i32 {
        %get3A = arith.index_cast %scan3A_240 : i32 to index
        %get3A_241 = arith.constant 0 : index
        %get3A_242 = tpu.vector_load %arg9[%get3A, %get3A_241] {strides = array<i32>} : memref<200x64xf32, #tpu.memory_space<vmem>>, vector<1x16xf32>,
        %get3A_243 = vector.shape_cast %get3A_242 : vector<1x16xf32> to vector<16xf32>
        %add3A_244 = arith.constant 0 : i32
        %add3A_245 = arith.addi %add3A_244, %scan3A_240 : i32
        %get3A_246 = arith.constant 1 : i32
        %get3A_247 = arith.index_cast %get3A_246 : i32 to index
        %get3A_248 = arith.index_cast %add3A_245 : i32 to index
        %get3A_249 = arith.constant 0 : index
        %get3A_250 = tpu.vector_load %arg7[%get3A_247, %get3A_248, %get3A_249] {strides = array<i32>} : memref<2x400x64xf32, #tpu.memory_space<vmem>>, vector<1x1x16xf32>,
        %get3A_251 = vector.shape_cast %get3A_250 : vector<1x1x16xf32> to vector<16xf32>
        %mul3A_252 = arith.constant 8.000000e+00 : f32
        %mul3A_253 = vector.broadcast %mul3A_252 : f32 to vector<16xf32>
        %mul3A_254 = arith.mulf %get3A_251, %mul3A_253 : vector<16xf32>
        %add3A_255 = arith.addf %mul3A_254, %get3A_243 : vector<16xf32>
        %swap3A = arith.constant 1 : i32
        %swap3A_256 = arith.constant 0 : i32
        %swap3A_257 = arith.index_cast %swap3A : i32 to index
        %swap3A_258 = arith.index_cast %swap3A_256 : i32 to index
        %swap3A_259 = arith.index_cast %scan3A_240 : i32 to index
        %swap3A_260 = arith.constant 0 : index
        %swap3A_261 = tpu.vector_load %arg8[%swap3A_257, %swap3A_258, %swap3A_259, %swap3A_260] {strides = array<i32>} : memref<2x2x200x64xf32, #tpu.memory_space<vmem>>, vector<1x1x1x16xf32>,
        %swap3A_262 = vector.shape_cast %swap3A_261 : vector<1x1x1x16xf32> to vector<16xf32>
        %swap3A_263 = vector.shape_cast %add3A_255 : vector<16xf32> to vector<1x1x1x16xf32>
        tpu.vector_store %arg8[%swap3A_257, %swap3A_258, %swap3A_259, %swap3A_260], %swap3A_263 {strides = array<i32>} : memref<2x2x200x64xf32, #tpu.memory_space<vmem>>, vector<1x1x1x16xf32>,
        %add3A_264 = arith.constant 200 : i32
        %add3A_265 = arith.addi %add3A_264, %scan3A_240 : i32
        %get3A_266 = arith.constant 1 : i32
        %get3A_267 = arith.index_cast %get3A_266 : i32 to index
        %get3A_268 = arith.index_cast %add3A_265 : i32 to index
        %get3A_269 = arith.constant 0 : index
        %get3A_270 = tpu.vector_load %arg7[%get3A_267, %get3A_268, %get3A_269] {strides = array<i32>} : memref<2x400x64xf32, #tpu.memory_space<vmem>>, vector<1x1x16xf32>,
        %get3A_271 = vector.shape_cast %get3A_270 : vector<1x1x16xf32> to vector<16xf32>
        %mul3A_272 = arith.constant 8.000000e+00 : f32
        %mul3A_273 = vector.broadcast %mul3A_272 : f32 to vector<16xf32>
        %mul3A_274 = arith.mulf %get3A_271, %mul3A_273 : vector<16xf32>
        %add3A_275 = arith.addf %mul3A_274, %get3A_243 : vector<16xf32>
        %swap3A_276 = arith.constant 1 : i32
        %swap3A_277 = arith.constant 1 : i32
        %swap3A_278 = arith.index_cast %swap3A_276 : i32 to index
        %swap3A_279 = arith.index_cast %swap3A_277 : i32 to index
        %swap3A_280 = arith.index_cast %scan3A_240 : i32 to index
        %swap3A_281 = arith.constant 0 : index
        %swap3A_282 = tpu.vector_load %arg8[%swap3A_278, %swap3A_279, %swap3A_280, %swap3A_281] {strides = array<i32>} : memref<2x2x200x64xf32, #tpu.memory_space<vmem>>, vector<1x1x1x16xf32>,
        %swap3A_283 = vector.shape_cast %swap3A_282 : vector<1x1x1x16xf32> to vector<16xf32>
        %swap3A_284 = vector.shape_cast %add3A_275 : vector<16xf32> to vector<1x1x1x16xf32>
        tpu.vector_store %arg8[%swap3A_278, %swap3A_279, %swap3A_280, %swap3A_281], %swap3A_284 {strides = array<i32>} : memref<2x2x200x64xf32, #tpu.memory_space<vmem>>, vector<1x1x1x16xf32>,
        %get3A_285 = arith.index_cast %scan3A_240 : i32 to index
        %get3A_286 = arith.constant 16 : index
        %get3A_287 = tpu.vector_load %arg9[%get3A_285, %get3A_286] {strides = array<i32>} : memref<200x64xf32, #tpu.memory_space<vmem>>, vector<1x16xf32>,
        %get3A_288 = vector.shape_cast %get3A_287 : vector<1x16xf32> to vector<16xf32>
        %add3A_289 = arith.constant 0 : i32
        %add3A_290 = arith.addi %add3A_289, %scan3A_240 : i32
        %get3A_291 = arith.constant 1 : i32
        %get3A_292 = arith.index_cast %get3A_291 : i32 to index
        %get3A_293 = arith.index_cast %add3A_290 : i32 to index
        %get3A_294 = arith.constant 16 : index
        %get3A_295 = tpu.vector_load %arg7[%get3A_292, %get3A_293, %get3A_294] {strides = array<i32>} : memref<2x400x64xf32, #tpu.memory_space<vmem>>, vector<1x1x16xf32>,
        %get3A_296 = vector.shape_cast %get3A_295 : vector<1x1x16xf32> to vector<16xf32>
        %mul3A_297 = arith.constant 8.000000e+00 : f32
        %mul3A_298 = vector.broadcast %mul3A_297 : f32 to vector<16xf32>
        %mul3A_299 = arith.mulf %get3A_296, %mul3A_298 : vector<16xf32>
        %add3A_300 = arith.addf %mul3A_299, %get3A_288 : vector<16xf32>
        %swap3A_301 = arith.constant 1 : i32
        %swap3A_302 = arith.constant 0 : i32
        %swap3A_303 = arith.index_cast %swap3A_301 : i32 to index
        %swap3A_304 = arith.index_cast %swap3A_302 : i32 to index
        %swap3A_305 = arith.index_cast %scan3A_240 : i32 to index
        %swap3A_306 = arith.constant 16 : index
        %swap3A_307 = tpu.vector_load %arg8[%swap3A_303, %swap3A_304, %swap3A_305, %swap3A_306] {strides = array<i32>} : memref<2x2x200x64xf32, #tpu.memory_space<vmem>>, vector<1x1x1x16xf32>,
        %swap3A_308 = vector.shape_cast %swap3A_307 : vector<1x1x1x16xf32> to vector<16xf32>
        %swap3A_309 = vector.shape_cast %add3A_300 : vector<16xf32> to vector<1x1x1x16xf32>
        tpu.vector_store %arg8[%swap3A_303, %swap3A_304, %swap3A_305, %swap3A_306], %swap3A_309 {strides = array<i32>} : memref<2x2x200x64xf32, #tpu.memory_space<vmem>>, vector<1x1x1x16xf32>,
        %add3A_310 = arith.constant 200 : i32
        %add3A_311 = arith.addi %add3A_310, %scan3A_240 : i32
        %get3A_312 = arith.constant 1 : i32
        %get3A_313 = arith.index_cast %get3A_312 : i32 to index
        %get3A_314 = arith.index_cast %add3A_311 : i32 to index
        %get3A_315 = arith.constant 16 : index
        %get3A_316 = tpu.vector_load %arg7[%get3A_313, %get3A_314, %get3A_315] {strides = array<i32>} : memref<2x400x64xf32, #tpu.memory_space<vmem>>, vector<1x1x16xf32>,
        %get3A_317 = vector.shape_cast %get3A_316 : vector<1x1x16xf32> to vector<16xf32>
        %mul3A_318 = arith.constant 8.000000e+00 : f32
        %mul3A_319 = vector.broadcast %mul3A_318 : f32 to vector<16xf32>
        %mul3A_320 = arith.mulf %get3A_317, %mul3A_319 : vector<16xf32>
        %add3A_321 = arith.addf %mul3A_320, %get3A_288 : vector<16xf32>
        %swap3A_322 = arith.constant 1 : i32
        %swap3A_323 = arith.constant 1 : i32
        %swap3A_324 = arith.index_cast %swap3A_322 : i32 to index
        %swap3A_325 = arith.index_cast %swap3A_323 : i32 to index
        %swap3A_326 = arith.index_cast %scan3A_240 : i32 to index
        %swap3A_327 = arith.constant 16 : index
        %swap3A_328 = tpu.vector_load %arg8[%swap3A_324, %swap3A_325, %swap3A_326, %swap3A_327] {strides = array<i32>} : memref<2x2x200x64xf32, #tpu.memory_space<vmem>>, vector<1x1x1x16xf32>,
        %swap3A_329 = vector.shape_cast %swap3A_328 : vector<1x1x1x16xf32> to vector<16xf32>
        %swap3A_330 = vector.shape_cast %add3A_321 : vector<16xf32> to vector<1x1x1x16xf32>
        tpu.vector_store %arg8[%swap3A_324, %swap3A_325, %swap3A_326, %swap3A_327], %swap3A_330 {strides = array<i32>} : memref<2x2x200x64xf32, #tpu.memory_space<vmem>>, vector<1x1x1x16xf32>,
        %get3A_331 = arith.index_cast %scan3A_240 : i32 to index
        %get3A_332 = arith.constant 32 : index
        %get3A_333 = tpu.vector_load %arg9[%get3A_331, %get3A_332] {strides = array<i32>} : memref<200x64xf32, #tpu.memory_space<vmem>>, vector<1x16xf32>,
        %get3A_334 = vector.shape_cast %get3A_333 : vector<1x16xf32> to vector<16xf32>
        %add3A_335 = arith.constant 0 : i32
        %add3A_336 = arith.addi %add3A_335, %scan3A_240 : i32
        %get3A_337 = arith.constant 1 : i32
        %get3A_338 = arith.index_cast %get3A_337 : i32 to index
        %get3A_339 = arith.index_cast %add3A_336 : i32 to index
        %get3A_340 = arith.constant 32 : index
        %get3A_341 = tpu.vector_load %arg7[%get3A_338, %get3A_339, %get3A_340] {strides = array<i32>} : memref<2x400x64xf32, #tpu.memory_space<vmem>>, vector<1x1x16xf32>,
        %get3A_342 = vector.shape_cast %get3A_341 : vector<1x1x16xf32> to vector<16xf32>
        %mul3A_343 = arith.constant 8.000000e+00 : f32
        %mul3A_344 = vector.broadcast %mul3A_343 : f32 to vector<16xf32>
        %mul3A_345 = arith.mulf %get3A_342, %mul3A_344 : vector<16xf32>
        %add3A_346 = arith.addf %mul3A_345, %get3A_334 : vector<16xf32>
        %swap3A_347 = arith.constant 1 : i32
        %swap3A_348 = arith.constant 0 : i32
        %swap3A_349 = arith.index_cast %swap3A_347 : i32 to index
        %swap3A_350 = arith.index_cast %swap3A_348 : i32 to index
        %swap3A_351 = arith.index_cast %scan3A_240 : i32 to index
        %swap3A_352 = arith.constant 32 : index
        %swap3A_353 = tpu.vector_load %arg8[%swap3A_349, %swap3A_350, %swap3A_351, %swap3A_352] {strides = array<i32>} : memref<2x2x200x64xf32, #tpu.memory_space<vmem>>, vector<1x1x1x16xf32>,
        %swap3A_354 = vector.shape_cast %swap3A_353 : vector<1x1x1x16xf32> to vector<16xf32>
        %swap3A_355 = vector.shape_cast %add3A_346 : vector<16xf32> to vector<1x1x1x16xf32>
        tpu.vector_store %arg8[%swap3A_349, %swap3A_350, %swap3A_351, %swap3A_352], %swap3A_355 {strides = array<i32>} : memref<2x2x200x64xf32, #tpu.memory_space<vmem>>, vector<1x1x1x16xf32>,
        %add3A_356 = arith.constant 200 : i32
        %add3A_357 = arith.addi %add3A_356, %scan3A_240 : i32
        %get3A_358 = arith.constant 1 : i32
        %get3A_359 = arith.index_cast %get3A_358 : i32 to index
        %get3A_360 = arith.index_cast %add3A_357 : i32 to index
        %get3A_361 = arith.constant 32 : index
        %get3A_362 = tpu.vector_load %arg7[%get3A_359, %get3A_360, %get3A_361] {strides = array<i32>} : memref<2x400x64xf32, #tpu.memory_space<vmem>>, vector<1x1x16xf32>,
        %get3A_363 = vector.shape_cast %get3A_362 : vector<1x1x16xf32> to vector<16xf32>
        %mul3A_364 = arith.constant 8.000000e+00 : f32
        %mul3A_365 = vector.broadcast %mul3A_364 : f32 to vector<16xf32>
        %mul3A_366 = arith.mulf %get3A_363, %mul3A_365 : vector<16xf32>
        %add3A_367 = arith.addf %mul3A_366, %get3A_334 : vector<16xf32>
        %swap3A_368 = arith.constant 1 : i32
        %swap3A_369 = arith.constant 1 : i32
        %swap3A_370 = arith.index_cast %swap3A_368 : i32 to index
        %swap3A_371 = arith.index_cast %swap3A_369 : i32 to index
        %swap3A_372 = arith.index_cast %scan3A_240 : i32 to index
        %swap3A_373 = arith.constant 32 : index
        %swap3A_374 = tpu.vector_load %arg8[%swap3A_370, %swap3A_371, %swap3A_372, %swap3A_373] {strides = array<i32>} : memref<2x2x200x64xf32, #tpu.memory_space<vmem>>, vector<1x1x1x16xf32>,
        %swap3A_375 = vector.shape_cast %swap3A_374 : vector<1x1x1x16xf32> to vector<16xf32>
        %swap3A_376 = vector.shape_cast %add3A_367 : vector<16xf32> to vector<1x1x1x16xf32>
        tpu.vector_store %arg8[%swap3A_370, %swap3A_371, %swap3A_372, %swap3A_373], %swap3A_376 {strides = array<i32>} : memref<2x2x200x64xf32, #tpu.memory_space<vmem>>, vector<1x1x1x16xf32>,
        %get3A_377 = arith.index_cast %scan3A_240 : i32 to index
        %get3A_378 = arith.constant 48 : index
        %get3A_379 = tpu.vector_load %arg9[%get3A_377, %get3A_378] {strides = array<i32>} : memref<200x64xf32, #tpu.memory_space<vmem>>, vector<1x16xf32>,
        %get3A_380 = vector.shape_cast %get3A_379 : vector<1x16xf32> to vector<16xf32>
        %add3A_381 = arith.constant 0 : i32
        %add3A_382 = arith.addi %add3A_381, %scan3A_240 : i32
        %get3A_383 = arith.constant 1 : i32
        %get3A_384 = arith.index_cast %get3A_383 : i32 to index
        %get3A_385 = arith.index_cast %add3A_382 : i32 to index
        %get3A_386 = arith.constant 48 : index
        %get3A_387 = tpu.vector_load %arg7[%get3A_384, %get3A_385, %get3A_386] {strides = array<i32>} : memref<2x400x64xf32, #tpu.memory_space<vmem>>, vector<1x1x16xf32>,
        %get3A_388 = vector.shape_cast %get3A_387 : vector<1x1x16xf32> to vector<16xf32>
        %mul3A_389 = arith.constant 8.000000e+00 : f32
        %mul3A_390 = vector.broadcast %mul3A_389 : f32 to vector<16xf32>
        %mul3A_391 = arith.mulf %get3A_388, %mul3A_390 : vector<16xf32>
        %add3A_392 = arith.addf %mul3A_391, %get3A_380 : vector<16xf32>
        %swap3A_393 = arith.constant 1 : i32
        %swap3A_394 = arith.constant 0 : i32
        %swap3A_395 = arith.index_cast %swap3A_393 : i32 to index
        %swap3A_396 = arith.index_cast %swap3A_394 : i32 to index
        %swap3A_397 = arith.index_cast %scan3A_240 : i32 to index
        %swap3A_398 = arith.constant 48 : index
        %swap3A_399 = tpu.vector_load %arg8[%swap3A_395, %swap3A_396, %swap3A_397, %swap3A_398] {strides = array<i32>} : memref<2x2x200x64xf32, #tpu.memory_space<vmem>>, vector<1x1x1x16xf32>,
        %swap3A_400 = vector.shape_cast %swap3A_399 : vector<1x1x1x16xf32> to vector<16xf32>
        %swap3A_401 = vector.shape_cast %add3A_392 : vector<16xf32> to vector<1x1x1x16xf32>
        tpu.vector_store %arg8[%swap3A_395, %swap3A_396, %swap3A_397, %swap3A_398], %swap3A_401 {strides = array<i32>} : memref<2x2x200x64xf32, #tpu.memory_space<vmem>>, vector<1x1x1x16xf32>,
        %add3A_402 = arith.constant 200 : i32
        %add3A_403 = arith.addi %add3A_402, %scan3A_240 : i32
        %get3A_404 = arith.constant 1 : i32
        %get3A_405 = arith.index_cast %get3A_404 : i32 to index
        %get3A_406 = arith.index_cast %add3A_403 : i32 to index
        %get3A_407 = arith.constant 48 : index
        %get3A_408 = tpu.vector_load %arg7[%get3A_405, %get3A_406, %get3A_407] {strides = array<i32>} : memref<2x400x64xf32, #tpu.memory_space<vmem>>, vector<1x1x16xf32>,
        %get3A_409 = vector.shape_cast %get3A_408 : vector<1x1x16xf32> to vector<16xf32>
        %mul3A_410 = arith.constant 8.000000e+00 : f32
        %mul3A_411 = vector.broadcast %mul3A_410 : f32 to vector<16xf32>
        %mul3A_412 = arith.mulf %get3A_409, %mul3A_411 : vector<16xf32>
        %add3A_413 = arith.addf %mul3A_412, %get3A_380 : vector<16xf32>
        %swap3A_414 = arith.constant 1 : i32
        %swap3A_415 = arith.constant 1 : i32
        %swap3A_416 = arith.index_cast %swap3A_414 : i32 to index
        %swap3A_417 = arith.index_cast %swap3A_415 : i32 to index
        %swap3A_418 = arith.index_cast %scan3A_240 : i32 to index
        %swap3A_419 = arith.constant 48 : index
        %swap3A_420 = tpu.vector_load %arg8[%swap3A_416, %swap3A_417, %swap3A_418, %swap3A_419] {strides = array<i32>} : memref<2x2x200x64xf32, #tpu.memory_space<vmem>>, vector<1x1x1x16xf32>,
        %swap3A_421 = vector.shape_cast %swap3A_420 : vector<1x1x1x16xf32> to vector<16xf32>
        %swap3A_422 = vector.shape_cast %add3A_413 : vector<16xf32> to vector<1x1x1x16xf32>
        tpu.vector_store %arg8[%swap3A_416, %swap3A_417, %swap3A_418, %swap3A_419], %swap3A_422 {strides = array<i32>} : memref<2x2x200x64xf32, #tpu.memory_space<vmem>>, vector<1x1x1x16xf32>,
        %scan3A_423 = arith.constant 1 : i32
        %scan3A_424 = arith.addi %scan3A_240, %scan3A_423 : i32
        %get3A_425 = arith.index_cast %scan3A_424 : i32 to index
        %get3A_426 = arith.constant 0 : index
        %get3A_427 = tpu.vector_load %arg9[%get3A_425, %get3A_426] {strides = array<i32>} : memref<200x64xf32, #tpu.memory_space<vmem>>, vector<1x16xf32>,
        %get3A_428 = vector.shape_cast %get3A_427 : vector<1x16xf32> to vector<16xf32>
        %add3A_429 = arith.constant 0 : i32
        %add3A_430 = arith.addi %add3A_429, %scan3A_424 : i32
        %get3A_431 = arith.constant 1 : i32
        %get3A_432 = arith.index_cast %get3A_431 : i32 to index
        %get3A_433 = arith.index_cast %add3A_430 : i32 to index
        %get3A_434 = arith.constant 0 : index
        %get3A_435 = tpu.vector_load %arg7[%get3A_432, %get3A_433, %get3A_434] {strides = array<i32>} : memref<2x400x64xf32, #tpu.memory_space<vmem>>, vector<1x1x16xf32>,
        %get3A_436 = vector.shape_cast %get3A_435 : vector<1x1x16xf32> to vector<16xf32>
        %mul3A_437 = arith.constant 8.000000e+00 : f32
        %mul3A_438 = vector.broadcast %mul3A_437 : f32 to vector<16xf32>
        %mul3A_439 = arith.mulf %get3A_436, %mul3A_438 : vector<16xf32>
        %add3A_440 = arith.addf %mul3A_439, %get3A_428 : vector<16xf32>
        %swap3A_441 = arith.constant 1 : i32
        %swap3A_442 = arith.constant 0 : i32
        %swap3A_443 = arith.index_cast %swap3A_441 : i32 to index
        %swap3A_444 = arith.index_cast %swap3A_442 : i32 to index
        %swap3A_445 = arith.index_cast %scan3A_424 : i32 to index
        %swap3A_446 = arith.constant 0 : index
        %swap3A_447 = tpu.vector_load %arg8[%swap3A_443, %swap3A_444, %swap3A_445, %swap3A_446] {strides = array<i32>} : memref<2x2x200x64xf32, #tpu.memory_space<vmem>>, vector<1x1x1x16xf32>,
        %swap3A_448 = vector.shape_cast %swap3A_447 : vector<1x1x1x16xf32> to vector<16xf32>
        %swap3A_449 = vector.shape_cast %add3A_440 : vector<16xf32> to vector<1x1x1x16xf32>
        tpu.vector_store %arg8[%swap3A_443, %swap3A_444, %swap3A_445, %swap3A_446], %swap3A_449 {strides = array<i32>} : memref<2x2x200x64xf32, #tpu.memory_space<vmem>>, vector<1x1x1x16xf32>,
        %add3A_450 = arith.constant 200 : i32
        %add3A_451 = arith.addi %add3A_450, %scan3A_424 : i32
        %get3A_452 = arith.constant 1 : i32
        %get3A_453 = arith.index_cast %get3A_452 : i32 to index
        %get3A_454 = arith.index_cast %add3A_451 : i32 to index
        %get3A_455 = arith.constant 0 : index
        %get3A_456 = tpu.vector_load %arg7[%get3A_453, %get3A_454, %get3A_455] {strides = array<i32>} : memref<2x400x64xf32, #tpu.memory_space<vmem>>, vector<1x1x16xf32>,
        %get3A_457 = vector.shape_cast %get3A_456 : vector<1x1x16xf32> to vector<16xf32>
        %mul3A_458 = arith.constant 8.000000e+00 : f32
        %mul3A_459 = vector.broadcast %mul3A_458 : f32 to vector<16xf32>
        %mul3A_460 = arith.mulf %get3A_457, %mul3A_459 : vector<16xf32>
        %add3A_461 = arith.addf %mul3A_460, %get3A_428 : vector<16xf32>
        %swap3A_462 = arith.constant 1 : i32
        %swap3A_463 = arith.constant 1 : i32
        %swap3A_464 = arith.index_cast %swap3A_462 : i32 to index
        %swap3A_465 = arith.index_cast %swap3A_463 : i32 to index
        %swap3A_466 = arith.index_cast %scan3A_424 : i32 to index
        %swap3A_467 = arith.constant 0 : index
        %swap3A_468 = tpu.vector_load %arg8[%swap3A_464, %swap3A_465, %swap3A_466, %swap3A_467] {strides = array<i32>} : memref<2x2x200x64xf32, #tpu.memory_space<vmem>>, vector<1x1x1x16xf32>,
        %swap3A_469 = vector.shape_cast %swap3A_468 : vector<1x1x1x16xf32> to vector<16xf32>
        %swap3A_470 = vector.shape_cast %add3A_461 : vector<16xf32> to vector<1x1x1x16xf32>
        tpu.vector_store %arg8[%swap3A_464, %swap3A_465, %swap3A_466, %swap3A_467], %swap3A_470 {strides = array<i32>} : memref<2x2x200x64xf32, #tpu.memory_space<vmem>>, vector<1x1x1x16xf32>,
        %get3A_471 = arith.index_cast %scan3A_424 : i32 to index
        %get3A_472 = arith.constant 16 : index
        %get3A_473 = tpu.vector_load %arg9[%get3A_471, %get3A_472] {strides = array<i32>} : memref<200x64xf32, #tpu.memory_space<vmem>>, vector<1x16xf32>,
        %get3A_474 = vector.shape_cast %get3A_473 : vector<1x16xf32> to vector<16xf32>
        %add3A_475 = arith.constant 0 : i32
        %add3A_476 = arith.addi %add3A_475, %scan3A_424 : i32
        %get3A_477 = arith.constant 1 : i32
        %get3A_478 = arith.index_cast %get3A_477 : i32 to index
        %get3A_479 = arith.index_cast %add3A_476 : i32 to index
        %get3A_480 = arith.constant 16 : index
        %get3A_481 = tpu.vector_load %arg7[%get3A_478, %get3A_479, %get3A_480] {strides = array<i32>} : memref<2x400x64xf32, #tpu.memory_space<vmem>>, vector<1x1x16xf32>,
        %get3A_482 = vector.shape_cast %get3A_481 : vector<1x1x16xf32> to vector<16xf32>
        %mul3A_483 = arith.constant 8.000000e+00 : f32
        %mul3A_484 = vector.broadcast %mul3A_483 : f32 to vector<16xf32>
        %mul3A_485 = arith.mulf %get3A_482, %mul3A_484 : vector<16xf32>
        %add3A_486 = arith.addf %mul3A_485, %get3A_474 : vector<16xf32>
        %swap3A_487 = arith.constant 1 : i32
        %swap3A_488 = arith.constant 0 : i32
        %swap3A_489 = arith.index_cast %swap3A_487 : i32 to index
        %swap3A_490 = arith.index_cast %swap3A_488 : i32 to index
        %swap3A_491 = arith.index_cast %scan3A_424 : i32 to index
        %swap3A_492 = arith.constant 16 : index
        %swap3A_493 = tpu.vector_load %arg8[%swap3A_489, %swap3A_490, %swap3A_491, %swap3A_492] {strides = array<i32>} : memref<2x2x200x64xf32, #tpu.memory_space<vmem>>, vector<1x1x1x16xf32>,
        %swap3A_494 = vector.shape_cast %swap3A_493 : vector<1x1x1x16xf32> to vector<16xf32>
        %swap3A_495 = vector.shape_cast %add3A_486 : vector<16xf32> to vector<1x1x1x16xf32>
        tpu.vector_store %arg8[%swap3A_489, %swap3A_490, %swap3A_491, %swap3A_492], %swap3A_495 {strides = array<i32>} : memref<2x2x200x64xf32, #tpu.memory_space<vmem>>, vector<1x1x1x16xf32>,
        %add3A_496 = arith.constant 200 : i32
        %add3A_497 = arith.addi %add3A_496, %scan3A_424 : i32
        %get3A_498 = arith.constant 1 : i32
        %get3A_499 = arith.index_cast %get3A_498 : i32 to index
        %get3A_500 = arith.index_cast %add3A_497 : i32 to index
        %get3A_501 = arith.constant 16 : index
        %get3A_502 = tpu.vector_load %arg7[%get3A_499, %get3A_500, %get3A_501] {strides = array<i32>} : memref<2x400x64xf32, #tpu.memory_space<vmem>>, vector<1x1x16xf32>,
        %get3A_503 = vector.shape_cast %get3A_502 : vector<1x1x16xf32> to vector<16xf32>
        %mul3A_504 = arith.constant 8.000000e+00 : f32
        %mul3A_505 = vector.broadcast %mul3A_504 : f32 to vector<16xf32>
        %mul3A_506 = arith.mulf %get3A_503, %mul3A_505 : vector<16xf32>
        %add3A_507 = arith.addf %mul3A_506, %get3A_474 : vector<16xf32>
        %swap3A_508 = arith.constant 1 : i32
        %swap3A_509 = arith.constant 1 : i32
        %swap3A_510 = arith.index_cast %swap3A_508 : i32 to index
        %swap3A_511 = arith.index_cast %swap3A_509 : i32 to index
        %swap3A_512 = arith.index_cast %scan3A_424 : i32 to index
        %swap3A_513 = arith.constant 16 : index
        %swap3A_514 = tpu.vector_load %arg8[%swap3A_510, %swap3A_511, %swap3A_512, %swap3A_513] {strides = array<i32>} : memref<2x2x200x64xf32, #tpu.memory_space<vmem>>, vector<1x1x1x16xf32>,
        %swap3A_515 = vector.shape_cast %swap3A_514 : vector<1x1x1x16xf32> to vector<16xf32>
        %swap3A_516 = vector.shape_cast %add3A_507 : vector<16xf32> to vector<1x1x1x16xf32>
        tpu.vector_store %arg8[%swap3A_510, %swap3A_511, %swap3A_512, %swap3A_513], %swap3A_516 {strides = array<i32>} : memref<2x2x200x64xf32, #tpu.memory_space<vmem>>, vector<1x1x1x16xf32>,
        %get3A_517 = arith.index_cast %scan3A_424 : i32 to index
        %get3A_518 = arith.constant 32 : index
        %get3A_519 = tpu.vector_load %arg9[%get3A_517, %get3A_518] {strides = array<i32>} : memref<200x64xf32, #tpu.memory_space<vmem>>, vector<1x16xf32>,
        %get3A_520 = vector.shape_cast %get3A_519 : vector<1x16xf32> to vector<16xf32>
        %add3A_521 = arith.constant 0 : i32
        %add3A_522 = arith.addi %add3A_521, %scan3A_424 : i32
        %get3A_523 = arith.constant 1 : i32
        %get3A_524 = arith.index_cast %get3A_523 : i32 to index
        %get3A_525 = arith.index_cast %add3A_522 : i32 to index
        %get3A_526 = arith.constant 32 : index
        %get3A_527 = tpu.vector_load %arg7[%get3A_524, %get3A_525, %get3A_526] {strides = array<i32>} : memref<2x400x64xf32, #tpu.memory_space<vmem>>, vector<1x1x16xf32>,
        %get3A_528 = vector.shape_cast %get3A_527 : vector<1x1x16xf32> to vector<16xf32>
        %mul3A_529 = arith.constant 8.000000e+00 : f32
        %mul3A_530 = vector.broadcast %mul3A_529 : f32 to vector<16xf32>
        %mul3A_531 = arith.mulf %get3A_528, %mul3A_530 : vector<16xf32>
        %add3A_532 = arith.addf %mul3A_531, %get3A_520 : vector<16xf32>
        %swap3A_533 = arith.constant 1 : i32
        %swap3A_534 = arith.constant 0 : i32
        %swap3A_535 = arith.index_cast %swap3A_533 : i32 to index
        %swap3A_536 = arith.index_cast %swap3A_534 : i32 to index
        %swap3A_537 = arith.index_cast %scan3A_424 : i32 to index
        %swap3A_538 = arith.constant 32 : index
        %swap3A_539 = tpu.vector_load %arg8[%swap3A_535, %swap3A_536, %swap3A_537, %swap3A_538] {strides = array<i32>} : memref<2x2x200x64xf32, #tpu.memory_space<vmem>>, vector<1x1x1x16xf32>,
        %swap3A_540 = vector.shape_cast %swap3A_539 : vector<1x1x1x16xf32> to vector<16xf32>
        %swap3A_541 = vector.shape_cast %add3A_532 : vector<16xf32> to vector<1x1x1x16xf32>
        tpu.vector_store %arg8[%swap3A_535, %swap3A_536, %swap3A_537, %swap3A_538], %swap3A_541 {strides = array<i32>} : memref<2x2x200x64xf32, #tpu.memory_space<vmem>>, vector<1x1x1x16xf32>,
        %add3A_542 = arith.constant 200 : i32
        %add3A_543 = arith.addi %add3A_542, %scan3A_424 : i32
        %get3A_544 = arith.constant 1 : i32
        %get3A_545 = arith.index_cast %get3A_544 : i32 to index
        %get3A_546 = arith.index_cast %add3A_543 : i32 to index
        %get3A_547 = arith.constant 32 : index
        %get3A_548 = tpu.vector_load %arg7[%get3A_545, %get3A_546, %get3A_547] {strides = array<i32>} : memref<2x400x64xf32, #tpu.memory_space<vmem>>, vector<1x1x16xf32>,
        %get3A_549 = vector.shape_cast %get3A_548 : vector<1x1x16xf32> to vector<16xf32>
        %mul3A_550 = arith.constant 8.000000e+00 : f32
        %mul3A_551 = vector.broadcast %mul3A_550 : f32 to vector<16xf32>
        %mul3A_552 = arith.mulf %get3A_549, %mul3A_551 : vector<16xf32>
        %add3A_553 = arith.addf %mul3A_552, %get3A_520 : vector<16xf32>
        %swap3A_554 = arith.constant 1 : i32
        %swap3A_555 = arith.constant 1 : i32
        %swap3A_556 = arith.index_cast %swap3A_554 : i32 to index
        %swap3A_557 = arith.index_cast %swap3A_555 : i32 to index
        %swap3A_558 = arith.index_cast %scan3A_424 : i32 to index
        %swap3A_559 = arith.constant 32 : index
        %swap3A_560 = tpu.vector_load %arg8[%swap3A_556, %swap3A_557, %swap3A_558, %swap3A_559] {strides = array<i32>} : memref<2x2x200x64xf32, #tpu.memory_space<vmem>>, vector<1x1x1x16xf32>,
        %swap3A_561 = vector.shape_cast %swap3A_560 : vector<1x1x1x16xf32> to vector<16xf32>
        %swap3A_562 = vector.shape_cast %add3A_553 : vector<16xf32> to vector<1x1x1x16xf32>
        tpu.vector_store %arg8[%swap3A_556, %swap3A_557, %swap3A_558, %swap3A_559], %swap3A_562 {strides = array<i32>} : memref<2x2x200x64xf32, #tpu.memory_space<vmem>>, vector<1x1x1x16xf32>,
        %get3A_563 = arith.index_cast %scan3A_424 : i32 to index
        %get3A_564 = arith.constant 48 : index
        %get3A_565 = tpu.vector_load %arg9[%get3A_563, %get3A_564] {strides = array<i32>} : memref<200x64xf32, #tpu.memory_space<vmem>>, vector<1x16xf32>,
        %get3A_566 = vector.shape_cast %get3A_565 : vector<1x16xf32> to vector<16xf32>
        %add3A_567 = arith.constant 0 : i32
        %add3A_568 = arith.addi %add3A_567, %scan3A_424 : i32
        %get3A_569 = arith.constant 1 : i32
        %get3A_570 = arith.index_cast %get3A_569 : i32 to index
        %get3A_571 = arith.index_cast %add3A_568 : i32 to index
        %get3A_572 = arith.constant 48 : index
        %get3A_573 = tpu.vector_load %arg7[%get3A_570, %get3A_571, %get3A_572] {strides = array<i32>} : memref<2x400x64xf32, #tpu.memory_space<vmem>>, vector<1x1x16xf32>,
        %get3A_574 = vector.shape_cast %get3A_573 : vector<1x1x16xf32> to vector<16xf32>
        %mul3A_575 = arith.constant 8.000000e+00 : f32
        %mul3A_576 = vector.broadcast %mul3A_575 : f32 to vector<16xf32>
        %mul3A_577 = arith.mulf %get3A_574, %mul3A_576 : vector<16xf32>
        %add3A_578 = arith.addf %mul3A_577, %get3A_566 : vector<16xf32>
        %swap3A_579 = arith.constant 1 : i32
        %swap3A_580 = arith.constant 0 : i32
        %swap3A_581 = arith.index_cast %swap3A_579 : i32 to index
        %swap3A_582 = arith.index_cast %swap3A_580 : i32 to index
        %swap3A_583 = arith.index_cast %scan3A_424 : i32 to index
        %swap3A_584 = arith.constant 48 : index
        %swap3A_585 = tpu.vector_load %arg8[%swap3A_581, %swap3A_582, %swap3A_583, %swap3A_584] {strides = array<i32>} : memref<2x2x200x64xf32, #tpu.memory_space<vmem>>, vector<1x1x1x16xf32>,
        %swap3A_586 = vector.shape_cast %swap3A_585 : vector<1x1x1x16xf32> to vector<16xf32>
        %swap3A_587 = vector.shape_cast %add3A_578 : vector<16xf32> to vector<1x1x1x16xf32>
        tpu.vector_store %arg8[%swap3A_581, %swap3A_582, %swap3A_583, %swap3A_584], %swap3A_587 {strides = array<i32>} : memref<2x2x200x64xf32, #tpu.memory_space<vmem>>, vector<1x1x1x16xf32>,
        %add3A_588 = arith.constant 200 : i32
        %add3A_589 = arith.addi %add3A_588, %scan3A_424 : i32
        %get3A_590 = arith.constant 1 : i32
        %get3A_591 = arith.index_cast %get3A_590 : i32 to index
        %get3A_592 = arith.index_cast %add3A_589 : i32 to index
        %get3A_593 = arith.constant 48 : index
        %get3A_594 = tpu.vector_load %arg7[%get3A_591, %get3A_592, %get3A_593] {strides = array<i32>} : memref<2x400x64xf32, #tpu.memory_space<vmem>>, vector<1x1x16xf32>,
        %get3A_595 = vector.shape_cast %get3A_594 : vector<1x1x16xf32> to vector<16xf32>
        %mul3A_596 = arith.constant 8.000000e+00 : f32
        %mul3A_597 = vector.broadcast %mul3A_596 : f32 to vector<16xf32>
        %mul3A_598 = arith.mulf %get3A_595, %mul3A_597 : vector<16xf32>
        %add3A_599 = arith.addf %mul3A_598, %get3A_566 : vector<16xf32>
        %swap3A_600 = arith.constant 1 : i32
        %swap3A_601 = arith.constant 1 : i32
        %swap3A_602 = arith.index_cast %swap3A_600 : i32 to index
        %swap3A_603 = arith.index_cast %swap3A_601 : i32 to index
        %swap3A_604 = arith.index_cast %scan3A_424 : i32 to index
        %swap3A_605 = arith.constant 48 : index
        %swap3A_606 = tpu.vector_load %arg8[%swap3A_602, %swap3A_603, %swap3A_604, %swap3A_605] {strides = array<i32>} : memref<2x2x200x64xf32, #tpu.memory_space<vmem>>, vector<1x1x1x16xf32>,
        %swap3A_607 = vector.shape_cast %swap3A_606 : vector<1x1x1x16xf32> to vector<16xf32>
        %swap3A_608 = vector.shape_cast %add3A_599 : vector<16xf32> to vector<1x1x1x16xf32>
        tpu.vector_store %arg8[%swap3A_602, %swap3A_603, %swap3A_604, %swap3A_605], %swap3A_608 {strides = array<i32>} : memref<2x2x200x64xf32, #tpu.memory_space<vmem>>, vector<1x1x1x16xf32>,
      }
      %scan3A_214 = arith.constant 200 : i32
      %mul3A_215 = arith.constant 2 : i32
      %mul3A_216 = arith.muli %add3A_171, %mul3A_215 : i32
      %add3A_217 = arith.addi %mul3A_4, %mul3A_216 : i32
      %dma_start3A_218 = arith.constant 1 : i32
      %dma_start3A_219 = arith.constant 0 : i32
      %dma_start3A_220 = arith.constant 0 : i32
      %dma_start3A_221 = arith.constant 0 : i32
      %dma_start3A_222 = tpu.memref_slice %arg8[%dma_start3A_218, %dma_start3A_219, %dma_start3A_220, %dma_start3A_221] : memref<2x2x200x64xf32, #tpu.memory_space<vmem>> -> memref<1x2x200x64xf32, #tpu.memory_space<vmem>>
      %dma_start3A_223 = tpu.memref_squeeze %dma_start3A_222 : memref<1x2x200x64xf32, #tpu.memory_space<vmem>> -> memref<2x200x64xf32, #tpu.memory_space<vmem>>
      %dma_start3A_224 = arith.constant 0 : i32
      %dma_start3A_225 = arith.constant 0 : i32
      %dma_start3A_226 = tpu.memref_slice %arg5[%add3A_217, %dma_start3A_224, %dma_start3A_225] : memref<4096x200x128xf32, #tpu.memory_space<hbm>> -> memref<2x200x64xf32, #tpu.memory_space<hbm>>
      %dma_start3A_227 = arith.constant 0 : i32
      %dma_start3A_228 = arith.constant 0 : i32
      %dma_start3A_229 = tpu.memref_slice %arg5[%add3A_217, %dma_start3A_227, %dma_start3A_228] : memref<4096x200x128xf32, #tpu.memory_space<hbm>> -> memref<2x200x64xf32, #tpu.memory_space<hbm>>
      %dma_start3A_230 = arith.constant 0 : i32
      %dma_start3A_231 = arith.constant 0 : i32
      %dma_start3A_232 = arith.constant 0 : i32
      %dma_start3A_233 = tpu.memref_slice %arg8[%dma_start3A_218, %dma_start3A_230, %dma_start3A_231, %dma_start3A_232] : memref<2x2x200x64xf32, #tpu.memory_space<vmem>> -> memref<1x2x200x64xf32, #tpu.memory_space<vmem>>
      %dma_start3A_234 = tpu.memref_squeeze %dma_start3A_233 : memref<1x2x200x64xf32, #tpu.memory_space<vmem>> -> memref<2x200x64xf32, #tpu.memory_space<vmem>>
      tpu.enqueue_dma source(%dma_start3A_234 : memref<2x200x64xf32, #tpu.memory_space<vmem>>) target(%dma_start3A_229 : memref<2x200x64xf32, #tpu.memory_space<hbm>>) target_semaphore(%arg15 : memref<!tpu.dma_semaphore, #tpu.memory_space<semaphore_mem>>)
      %lt3A_235 = arith.constant 62 : i32
      %lt3A_236 = arith.cmpi slt, %add3A_171, %lt3A_235 : i32
      %convert_element_type3A_237 = arith.extui %lt3A_236 : i1 to i32
      %cond3A_238 = arith.constant 0 : i32
      %cond3A_239 = arith.cmpi ne, %convert_element_type3A_237, %cond3A_238 : i32
      scf.if %cond3A_239 {
        %add3A_240 = arith.constant 800 : i32
        %add3A_241 = arith.addi %add3A_174, %add3A_240 : i32
        %dma_wait3A_242 = arith.constant 1 : i32
        %dma_wait3A_243 = arith.constant 0 : i32
        %dma_wait3A_244 = tpu.memref_slice %arg6[%dma_wait3A_242, %dma_wait3A_243] : memref<2x400xi32, #tpu.memory_space<vmem>> -> memref<1x400xi32, #tpu.memory_space<vmem>>
        %dma_wait3A_245 = tpu.memref_squeeze %dma_wait3A_244 : memref<1x400xi32, #tpu.memory_space<vmem>> -> memref<400xi32, #tpu.memory_space<vmem>>
        %dma_wait3A_246 = tpu.memref_slice %arg2[%add3A_241] : memref<819200xi32, #tpu.memory_space<hbm>> -> memref<400xi32, #tpu.memory_space<hbm>>
        %dma_wait3A_247 = arith.constant 0 : i32
        %dma_wait3A_248 = tpu.memref_slice %arg6[%dma_wait3A_242, %dma_wait3A_247] : memref<2x400xi32, #tpu.memory_space<vmem>> -> memref<1x400xi32, #tpu.memory_space<vmem>>
        %dma_wait3A_249 = tpu.memref_squeeze %dma_wait3A_248 : memref<1x400xi32, #tpu.memory_space<vmem>> -> memref<400xi32, #tpu.memory_space<vmem>>
        %dma_wait3A_250 = tpu.memref_slice %arg2[%add3A_241] : memref<819200xi32, #tpu.memory_space<hbm>> -> memref<400xi32, #tpu.memory_space<hbm>>
        tpu.wait_dma2 semaphore(%arg11 : memref<!tpu.dma_semaphore, #tpu.memory_space<semaphore_mem>>) src(%dma_wait3A_250 : memref<400xi32, #tpu.memory_space<hbm>>) dst(%dma_wait3A_249 : memref<400xi32, #tpu.memory_space<vmem>>)
        %dma_start3A_251 = arith.constant 1 : i32
        %dma_start3A_252 = arith.constant 1 : i32
        %dma_start3A_253 = arith.constant 0 : i32
        %dma_start3A_254 = arith.constant 0 : i32
        %dma_start3A_255 = tpu.memref_slice %arg7[%dma_start3A_252, %dma_start3A_253, %dma_start3A_254] : memref<2x400x64xf32, #tpu.memory_space<vmem>> -> memref<1x200x64xf32, #tpu.memory_space<vmem>>
        %dma_start3A_256 = tpu.memref_squeeze %dma_start3A_255 : memref<1x200x64xf32, #tpu.memory_space<vmem>> -> memref<200x64xf32, #tpu.memory_space<vmem>>
        %dma_start3A_257 = arith.constant 0 : i32
        %dma_start3A_258 = tpu.memref_slice %arg6[%dma_start3A_251, %dma_start3A_257] : memref<2x400xi32, #tpu.memory_space<vmem>> -> memref<1x200xi32, #tpu.memory_space<vmem>>
        %dma_start3A_259 = tpu.memref_squeeze %dma_start3A_258 : memref<1x200xi32, #tpu.memory_space<vmem>> -> memref<200xi32, #tpu.memory_space<vmem>>
        %dma_start3A_260 = arith.constant 0 : i32
        %dma_start3A_261 = arith.constant 0 : i32
        %dma_start3A_262 = tpu.memref_slice %arg3[%dma_start3A_260, %dma_start3A_261] : memref<1000000x64xf32, #tpu.memory_space<hbm>> -> memref<1000000x64xf32, #tpu.memory_space<hbm>>
        tpu.enqueue_indirect_dma source(%dma_start3A_262 : memref<1000000x64xf32, #tpu.memory_space<hbm>>) target(%dma_start3A_256 : memref<200x64xf32, #tpu.memory_space<vmem>>) offsets(%dma_start3A_259 : memref<200xi32, #tpu.memory_space<vmem>>) semaphore(%arg13 : memref<!tpu.dma_semaphore, #tpu.memory_space<semaphore_mem>>)
        %dma_start3A_263 = arith.constant 1 : i32
        %dma_start3A_264 = arith.constant 1 : i32
        %dma_start3A_265 = arith.constant 200 : i32
        %dma_start3A_266 = arith.constant 0 : i32
        %dma_start3A_267 = tpu.memref_slice %arg7[%dma_start3A_264, %dma_start3A_265, %dma_start3A_266] : memref<2x400x64xf32, #tpu.memory_space<vmem>> -> memref<1x200x64xf32, #tpu.memory_space<vmem>>
        %dma_start3A_268 = tpu.memref_squeeze %dma_start3A_267 : memref<1x200x64xf32, #tpu.memory_space<vmem>> -> memref<200x64xf32, #tpu.memory_space<vmem>>
        %dma_start3A_269 = arith.constant 200 : i32
        %dma_start3A_270 = tpu.memref_slice %arg6[%dma_start3A_263, %dma_start3A_269] : memref<2x400xi32, #tpu.memory_space<vmem>> -> memref<1x200xi32, #tpu.memory_space<vmem>>
        %dma_start3A_271 = tpu.memref_squeeze %dma_start3A_270 : memref<1x200xi32, #tpu.memory_space<vmem>> -> memref<200xi32, #tpu.memory_space<vmem>>
        %dma_start3A_272 = arith.constant 0 : i32
        %dma_start3A_273 = arith.constant 0 : i32
        %dma_start3A_274 = tpu.memref_slice %arg3[%dma_start3A_272, %dma_start3A_273] : memref<1000000x64xf32, #tpu.memory_space<hbm>> -> memref<1000000x64xf32, #tpu.memory_space<hbm>>
        tpu.enqueue_indirect_dma source(%dma_start3A_274 : memref<1000000x64xf32, #tpu.memory_space<hbm>>) target(%dma_start3A_268 : memref<200x64xf32, #tpu.memory_space<vmem>>) offsets(%dma_start3A_271 : memref<200xi32, #tpu.memory_space<vmem>>) semaphore(%arg13 : memref<!tpu.dma_semaphore, #tpu.memory_space<semaphore_mem>>)
      } else {
      }
    }
    %scan3A_61 = arith.constant 32 : i32
    %add3A_62 = arith.constant 124 : i32
    %add3A_63 = arith.addi %mul3A_4, %add3A_62 : i32
    %dma_wait3A = arith.constant 0 : i32
    %dma_wait3A_64 = arith.constant 0 : i32
    %dma_wait3A_65 = arith.constant 0 : i32
    %dma_wait3A_66 = arith.constant 0 : i32
    %dma_wait3A_67 = tpu.memref_slice %arg8[%dma_wait3A, %dma_wait3A_64, %dma_wait3A_65, %dma_wait3A_66] : memref<2x2x200x64xf32, #tpu.memory_space<vmem>> -> memref<1x2x200x64xf32, #tpu.memory_space<vmem>>
    %dma_wait3A_68 = tpu.memref_squeeze %dma_wait3A_67 : memref<1x2x200x64xf32, #tpu.memory_space<vmem>> -> memref<2x200x64xf32, #tpu.memory_space<vmem>>
    %dma_wait3A_69 = arith.constant 0 : i32
    %dma_wait3A_70 = arith.constant 0 : i32
    %dma_wait3A_71 = tpu.memref_slice %arg5[%add3A_63, %dma_wait3A_69, %dma_wait3A_70] : memref<4096x200x128xf32, #tpu.memory_space<hbm>> -> memref<2x200x64xf32, #tpu.memory_space<hbm>>
    %dma_wait3A_72 = arith.constant 0 : i32
    %dma_wait3A_73 = arith.constant 0 : i32
    %dma_wait3A_74 = tpu.memref_slice %arg5[%add3A_63, %dma_wait3A_72, %dma_wait3A_73] : memref<4096x200x128xf32, #tpu.memory_space<hbm>> -> memref<2x200x64xf32, #tpu.memory_space<hbm>>
    %dma_wait3A_75 = arith.constant 0 : i32
    %dma_wait3A_76 = arith.constant 0 : i32
    %dma_wait3A_77 = arith.constant 0 : i32
    %dma_wait3A_78 = tpu.memref_slice %arg8[%dma_wait3A, %dma_wait3A_75, %dma_wait3A_76, %dma_wait3A_77] : memref<2x2x200x64xf32, #tpu.memory_space<vmem>> -> memref<1x2x200x64xf32, #tpu.memory_space<vmem>>
    %dma_wait3A_79 = tpu.memref_squeeze %dma_wait3A_78 : memref<1x2x200x64xf32, #tpu.memory_space<vmem>> -> memref<2x200x64xf32, #tpu.memory_space<vmem>>
    tpu.wait_dma2 semaphore(%arg14 : memref<!tpu.dma_semaphore, #tpu.memory_space<semaphore_mem>>) src(%dma_wait3A_79 : memref<2x200x64xf32, #tpu.memory_space<vmem>>) dst(%dma_wait3A_74 : memref<2x200x64xf32, #tpu.memory_space<hbm>>)
    %add3A_80 = arith.constant 126 : i32
    %add3A_81 = arith.addi %mul3A_4, %add3A_80 : i32
    %dma_wait3A_82 = arith.constant 1 : i32
    %dma_wait3A_83 = arith.constant 0 : i32
    %dma_wait3A_84 = arith.constant 0 : i32
    %dma_wait3A_85 = arith.constant 0 : i32
    %dma_wait3A_86 = tpu.memref_slice %arg8[%dma_wait3A_82, %dma_wait3A_83, %dma_wait3A_84, %dma_wait3A_85] : memref<2x2x200x64xf32, #tpu.memory_space<vmem>> -> memref<1x2x200x64xf32, #tpu.memory_space<vmem>>
    %dma_wait3A_87 = tpu.memref_squeeze %dma_wait3A_86 : memref<1x2x200x64xf32, #tpu.memory_space<vmem>> -> memref<2x200x64xf32, #tpu.memory_space<vmem>>
    %dma_wait3A_88 = arith.constant 0 : i32
    %dma_wait3A_89 = arith.constant 0 : i32
    %dma_wait3A_90 = tpu.memref_slice %arg5[%add3A_81, %dma_wait3A_88, %dma_wait3A_89] : memref<4096x200x128xf32, #tpu.memory_space<hbm>> -> memref<2x200x64xf32, #tpu.memory_space<hbm>>
    %dma_wait3A_91 = arith.constant 0 : i32
    %dma_wait3A_92 = arith.constant 0 : i32
    %dma_wait3A_93 = tpu.memref_slice %arg5[%add3A_81, %dma_wait3A_91, %dma_wait3A_92] : memref<4096x200x128xf32, #tpu.memory_space<hbm>> -> memref<2x200x64xf32, #tpu.memory_space<hbm>>
    %dma_wait3A_94 = arith.constant 0 : i32
    %dma_wait3A_95 = arith.constant 0 : i32
    %dma_wait3A_96 = arith.constant 0 : i32
    %dma_wait3A_97 = tpu.memref_slice %arg8[%dma_wait3A_82, %dma_wait3A_94, %dma_wait3A_95, %dma_wait3A_96] : memref<2x2x200x64xf32, #tpu.memory_space<vmem>> -> memref<1x2x200x64xf32, #tpu.memory_space<vmem>>
    %dma_wait3A_98 = tpu.memref_squeeze %dma_wait3A_97 : memref<1x2x200x64xf32, #tpu.memory_space<vmem>> -> memref<2x200x64xf32, #tpu.memory_space<vmem>>
    tpu.wait_dma2 semaphore(%arg15 : memref<!tpu.dma_semaphore, #tpu.memory_space<semaphore_mem>>) src(%dma_wait3A_98 : memref<2x200x64xf32, #tpu.memory_space<vmem>>) dst(%dma_wait3A_93 : memref<2x200x64xf32, #tpu.memory_space<hbm>>)
    return
  }
}

</mosaic_0001>

<sc_bundles>
// kernel: kernel.3.cloned.1.call-start
scs
__scs_entry_jumppad:
0x0: {  	(pc) =	sbr.rel $0x88, $3  }
0x1: {  	(tag) =	ssettag $0x0;
	lr =	simm.s32 $0x1  }
0x2: {  	[smem:$0x3F9E] =	sst lr;
	_ =	strace $0xD0000000  }
0x3: {  	_ = 	snop  }
0x4: {  	_ = 	snop  }
0x5: {  	_ = 	snop  }
0x6: {  	_ = 	snop  }
0x7: {  	_ = 	snop  }
__scs_overlays_trampoline_lowered:
0x8: {  	[smem:$0x3FAD] =	sst s0  }
0x9: {  	[smem:$0x3FAE] =	sst s1  }
0xa: {  	[smem:$0x3FAF] =	sst s2  }
0xb: {  	[smem:$0x3FB0] =	sst s3  }
0xc: {  	[smem:$0x3FB1] =	sst s4  }
0xd: {  	[smem:$0x3FB2] =	sst s5  }
0xe: {  	[smem:$0x3FB3] =	sst s6  }
0xf: {  	[smem:$0x3FB4] =	sst s7  }
0x10: {  	[smem:$0x3FB5] =	sst s8  }
0x11: {  	[smem:$0x3FB6] =	sst s9;
	s0 =	simm.s32 @!p0 $0x0  }
0x12: {  	s1 =	sld [smem:$0x3F9C];
	s0 =	simm.s32 @p0 $0x1  }
0x13: {  	[smem:$0x3FB7] =	sst s0;
	s0 =	simm.s32 @!p1 $0x0  }
0x14: {  	s2 =	sld [smem:$0x3F9B];
	s0 =	simm.s32 @p1 $0x1  }
0x15: {  	[smem:$0x3FB8] =	sst s0;
	s0 =	simm.s32 @!p2 $0x0  }
0x16: {  	s3 =	sld [smem:$0x3FDB];
	s0 =	simm.s32 @p2 $0x1  }
0x17: {  	s4 =	simm.s32 $0x1BF5;
	[smem:$0x3FBA] =	sst s0  }
0x18: {  	s0 =	sld [smem:$0x3F9D];
	_ =	swait.ge [sflag:s4], $0x0  }
0x19: {  	s7 =	sld [smem:$0x3F9E]  }
0x1a: {  	s8 =	sadd.s32 $0xFFFFE003, lr  }
0x1b: {  	s9 =	sadd.s32 $0xFFFFFEF7, lr;
	s5 =	simm.s32 $0xFFFFFFFF;
	p2 =	slt.u32 s8, $0xFFFFF086  }
0x1c: {  	p1 =	slt.u32 s9, $0xF7A;
	s5 =	simm.s32 @!p2 $0x0  }
0x1d: {  	s5 =	simm.s32 @p1 $0x1;
	p0 =	seq.s32 s7, s2  }
0x1e: {  	s7 =	smul.u32 @!p0 $0xF7A, s2;
	p2 =	seq.s32 @!p0 s5, $0x0  }
0x1f: {  	s9 =	smul.u32 $0xF7A, s1;
	s8 =	simm.s32 @!p0 $0x1BF5;
	p2 =	por !p2, p0  }
0x20: {  	[sflag:s8] =	ssyncset.s32 @!p0 $0xFFFFF086;
	s6 =	sadd.s32 @!p0 s3, s7;
	s7 =	simm.s32 @!p0 $0x108  }
0x21: {  	s3 =	sadd.s32 s3, s9;
	s6 =	sadd.s32 @!p0 $0x88, s6;
	s7 =	simm.s32 @p2 $0x1082  }
0x22: {  	[simem:s7], [sflag:s8] =	dma.local @!p0 [hbm:s6], $0xF7A  }
0x23: {  	s9 =	sor.u32 $0xD0000000, s2;
	s6 =	simm.s32 $0x108;
	_ =	swait.ge @!p0 [sflag:s8], $0x0  }
0x24: {  	s3 =	sadd.s32 $0x88, s3;
	s6 =	simm.s32 @!p1 $0x1082;
	[sflag:s4] =	ssyncset.s32 $0xFFFFF086  }
0x25: {  	[simem:s6], [sflag:s4] =	dma.local [hbm:s3], $0xF7A  }
0x26: {  	[smem:$0x3F9E] =	sst s1;
	(tag) =	ssettag s2;
	_ =	strace s9  }
0x27: {  	s1 =	sld [smem:$0x3FAE]  }
0x28: {  	s2 =	sld [smem:$0x3FAF]  }
0x29: {  	s4 =	sld [smem:$0x3FB1]  }
0x2a: {  	p0 =	seq.s32 s5, $0x0;
	s5 =	sld [smem:$0x3FB2]  }
0x2b: {  	s6 =	sld [smem:$0x3FB3]  }
0x2c: {  	s7 =	sld [smem:$0x3FB4]  }
0x2d: {  	s3 =	simm.s32 $0x108;
	s8 =	sld [smem:$0x3FB5]  }
0x2e: {  	s3 =	simm.s32 @!p0 $0x1082;
	s9 =	sld [smem:$0x3FB6]  }
0x2f: {  	lr =	sadd.s32 s0, s3;
	s0 =	sld [smem:$0x3FAD]  }
0x30: {  	s3 =	sld [smem:$0x3FB0]  }
0x31: {  	[smem:$0x3FB9] =	sst s10  }
0x32: {  	s10 =	sld [smem:$0x3FB7];
	_ =	sdelay $0x3  }
0x33: {  	p0 =	seq.s32 s10, $0x1;
	s10 =	sld [smem:$0x3FB9];
	_ =	sdelay $0x3  }
0x34: {  	[smem:$0x3FB9] =	sst s10  }
0x35: {  	s10 =	sld [smem:$0x3FB8];
	_ =	sdelay $0x3  }
0x36: {  	p1 =	seq.s32 s10, $0x1;
	s10 =	sld [smem:$0x3FB9];
	_ =	sdelay $0x3  }
0x37: {  	[smem:$0x3FB9] =	sst s10  }
0x38: {  	s10 =	sld [smem:$0x3FBA]  }
0x39: {  	_ = 	snop;
	(pc) =	sbr.ind lr, $3  }
0x3a: {  	_ = 	snop  }
0x3b: {  	_ = 	snop  }
0x3c: {  	p2 =	seq.s32 s10, $0x1;
	s10 =	sld [smem:$0x3FB9]  }
0x3d: {  	_ =	shalt  }
0x3e: {  	_ =	shalt  }
0x3f: {  	_ =	shalt  }
0x40: {  	_ =	shalt  }
0x41: {  	_ =	shalt  }
0x42: {  	_ =	shalt  }
0x43: {  	_ =	shalt  }
0x44: {  	_ =	shalt  }
0x45: {  	_ =	shalt  }
0x46: {  	_ =	shalt  }
0x47: {  	_ =	shalt  }
0x48: {  	_ =	shalt  }
0x49: {  	_ =	shalt  }
0x4a: {  	_ =	shalt  }
0x4b: {  	_ =	shalt  }
0x4c: {  	_ =	shalt  }
0x4d: {  	_ =	shalt  }
0x4e: {  	_ =	shalt  }
0x4f: {  	_ =	shalt  }
0x50: {  	_ =	shalt  }
0x51: {  	_ =	shalt  }
0x52: {  	_ =	shalt  }
0x53: {  	_ =	shalt  }
0x54: {  	_ =	shalt  }
0x55: {  	_ =	shalt  }
0x56: {  	_ =	shalt  }
0x57: {  	_ =	shalt  }
0x58: {  	_ =	shalt  }
0x59: {  	_ =	shalt  }
0x5a: {  	_ =	shalt  }
0x5b: {  	_ =	shalt  }
0x5c: {  	_ =	shalt  }
0x5d: {  	_ =	shalt  }
0x5e: {  	_ =	shalt  }
0x5f: {  	_ =	shalt  }
0x60: {  	_ =	shalt  }
0x61: {  	_ =	shalt  }
0x62: {  	_ =	shalt  }
0x63: {  	_ =	shalt  }
0x64: {  	_ =	shalt  }
0x65: {  	_ =	shalt  }
0x66: {  	_ =	shalt  }
0x67: {  	_ =	shalt  }
0x68: {  	_ =	shalt  }
0x69: {  	_ =	shalt  }
0x6a: {  	_ =	shalt  }
0x6b: {  	_ =	shalt  }
0x6c: {  	_ =	shalt  }
0x6d: {  	_ =	shalt  }
0x6e: {  	_ =	shalt  }
0x6f: {  	_ =	shalt  }
0x70: {  	_ =	shalt  }
0x71: {  	_ =	shalt  }
0x72: {  	_ =	shalt  }
0x73: {  	_ =	shalt  }
0x74: {  	_ =	shalt  }
0x75: {  	_ =	shalt  }
0x76: {  	_ =	shalt  }
0x77: {  	_ =	shalt  }
0x78: {  	_ =	shalt  }
0x79: {  	_ =	shalt  }
0x7a: {  	_ =	shalt  }
0x7b: {  	_ =	shalt  }
0x7c: {  	_ =	shalt  }
0x7d: {  	_ =	shalt  }
0x7e: {  	_ =	shalt  }
0x7f: {  	_ =	shalt  }
0x80: {  	_ =	shalt  }
0x81: {  	_ =	shalt  }
0x82: {  	_ =	shalt  }
0x83: {  	_ =	shalt  }
0x84: {  	_ =	shalt  }
0x85: {  	_ =	shalt  }
0x86: {  	_ =	shalt  }
0x87: {  	_ =	shalt  }
.Lfunc_end0:
.L_simem_size_0:
called_computation.1_lowered:
.L_overlay_start_0:
0x88: {  	s2 =	sld [smem:$0x3FD9]  }
0x89: {  	s3 =	sld [smem:$0x3FFE];
	_ =	sdelay $0x1  }
0x8a: {  	s1 =	srdreg.scid  }
0x8b: {  	s0 =	sand.u32 $0x1, s1  }
0x8c: {  	s17 =	sshll.u32 s0, $0xA;
	s2 =	sadd.s32 s3, s2  }
0x8d: {  	s2 =	sadd.s32 s2, s17  }
0x8e: {  	[smem:$0x3FC5] =	sst s2  }
0x8f: {  	_ = 	snop  }
0x90: {  	s2 =	sld [smem:$0x3FD0];
	(tm) =	ssettm $0x1  }
0x91: {  	s18 =	sld [smem:$0x3FFB];
	_ =	sdelay $0x3  }
0x92: {  	_ =	strace s18  }
0x93: {  	s3 =	sld [smem:$0x3FFC];
	_ =	sdelay $0x3  }
0x94: {  	_ =	strace s3  }
0x95: {  	s3 =	sld [smem:$0x3FFD];
	_ =	sdelay $0x3  }
0x96: {  	_ =	strace s3  }
0x97: {  	_ =	strace $0x8FFFFFFF  }
0x98: {  	s19 =	sld [smem:$0x3FDB];
	_ =	sdelay $0x1  }
0x99: {  	s4 =	simm.s32 $_scs_section_size  }
0x9a: {  	s5 =	simm.s32 $_size__tile_overlayer_lowered;
	s6 =	simm.s32 $_tile_overlayer_lowered  }
0x9b: {  	s22 =	simm.s32 $0x1BFF;
	s21 =	sshll.u32 s6, $0x1;
	s3 =	sadd.s32 s4, s19  }
0x9c: {  	s7 =	simm.s32 $0x0;
	s20 =	sshll.u32 s5, $0x1;
	s5 =	sadd.s32 s21, s3  }
0x9d: {  	[timem:s7], [sflag:s22] =	dma.local [hbm:s5], s20  }
0x9e: {  	_ =	swait.ge [sflag:s22], s20  }
0x9f: {  	s4 =	ssub.s32 $0x0, s20;
	[sflag:s22] =	ssyncset.done $0x0  }
0xa0: {  	[sflag:s22] =	ssyncadd.s32 s4;
	_ =	sdelay $0x1  }
0xa1: {  	s23 =	simm.s32 $0x1B8B  }
0xa2: {  	_ =	swait.ge [sflag:s23], $0x1  }
0xa3: {  	[sflag:s23] =	ssyncset.done $0x0  }
0xa4: {  	s25 =	simm.s32 $0x1B8E;
	s24 =	sld [smem:$0x3FFE];
	[sflag:s23] =	ssyncadd.s32 $0xFFFFFFFF  }
0xa5: {  	s26 =	simm.s32 $execute0_lowered;
	[smem:$0x3FD2] =	sst s25  }
0xa6: {  	s5 =	sshll.u32 s26, $0x1;
	_ =	strace $0x80000046;
	[dreg:$0x1] =	wrdreg $0xFFFFFFFF  }
0xa7: {  	s28 =	simm.s32 $_size_execute0_lowered;
	s3 =	sadd.s32 s3, s5;
	[dreg:$0x0] =	wrdreg $0x0  }
0xa8: {  	s5 =	sshll.u32 s28, $0x1;
	[dreg:$0x2] =	wrdreg s3  }
0xa9: {  	[dreg:$0x3] =	wrdreg s5  }
0xaa: {  	[dreg:$0x4] =	wrdreg $0xC0  }
0xab: {  	_ =	task [dreg:s7], $0x5FFFF  }
0xac: {  	[dreg:$0x1] =	wrdreg $0xFFFFFFFF  }
0xad: {  	[dreg:$0x0] =	wrdreg $0x60  }
0xae: {  	[dreg:$0x2] =	wrdreg s2  }
0xaf: {  	[dreg:$0x3] =	wrdreg s24  }
0xb0: {  	[dreg:$0x4] =	wrdreg $0x9  }
0xb1: {  	_ =	task.clear_ibuf [dreg:s7], $0x5FFFF;
	_ =	strace $0x90000046  }
0xb2: {  	s29 =	simm.s32 $0x9;
	_ =	strace $0x80000048  }
0xb3: {  	_ =	swait.ge [sflag:s29], $0x1  }
0xb4: {  	[sflag:s29] =	ssyncadd.s32 $0xFFFFFFFF  }
0xb5: {  	_ =	strace $0x90000048  }
0xb6: {  	_ =	sfence  }
0xb7: {  	s30 =	sld [smem:$0x0];
	_ =	sdelay $0x2  }
0xb8: {  	s31 =	sshll.u32 s1, $0xD;
	s1 =	sshrl.u32 s1, $0x2  }
0xb9: {  	s3 =	sand.u32 $0x4000, s31;
	s1 =	sadd.s32 s1, s30  }
0xba: {  	s0 =	sor.u32 s3, s0;
	s1 =	sshll.u32 s1, $0x11  }
0xbb: {  	s0 =	sor.u32 s1, s0  }
0xbc: {  	s0 =	sadd.s32 $0x8F2B, s0  }
0xbd: {  	[sflag:s0] =	ssyncadd.remote.s32 $0x1  }
0xbe: {  	_ =	sfence.sel $0xFFFF  }
0xbf: {  	[dreg:$0x0] =	wrdreg $0xFFFFFFFF;
	(pc) =	sbr.abs _section_cstart, $3  }
0xc0: {  	[dreg:$0x1] =	wrdreg $0xFFFFFFFF  }
0xc1: {  	_ =	task.clear_ibuf [dreg:s7], $0x2FFFF;
	_ =	strace $0x9FFFFFFF  }
0xc2: {  	(tm) =	ssettm $0x7FFFFFFF  }
0xc3: {  	_ =	shalt  }
tec
execute0_lowered:
.L_overlay_start_1:
0x0: {  	(tag) =	ssettag $0x1  }
0x1: {  	s2 =	rddreg [dreg:$0x0];
	s0 =	srdreg.scid  }
0x2: {  	s3 =	stileid.u32;
	s1 =	rddreg [dreg:$0x1];
	s13 =	simm.s32 $0x7  }
0x3: {  	s14 =	simm.s32 $0xC8;
	s17 =	simm.s32 $0x190;
	s18 =	simm.s32 $0x6720  }
0x4: {  	s19 =	simm.s32 $0x258;
	s20 =	simm.s32 $0x9920;
	s21 =	simm.s32 $0x3  }
0x5: {  	s22 =	simm.s32 $0x40;
	s23 =	simm.s32 $0x80;
	s24 =	simm.s32 $0xCB20  }
0x6: {  	s25 =	simm.s32 $0x4;
	s28 =	simm.s32 $0x5;
	s29 =	simm.s32 $0x6  }
0x7: {  	s30 =	simm.s32 $0x2;
	s0 =	sand.u32 $0x1, s0;
	s4 =	sshll.u32 s3, $0x1  }
0x8: {  	s31 =	simm.s32 $0x0;
	s3 =	simm.s32 $0x0;
	s5 =	sor.u32 s0, s4  }
0x9: {  	s6 =	sadd.s32 $0xC00, s1;
	[smem:$0x7FF] =	sst s3;
	s10 =	smul.u32 $0x6400, s5  }
.Ltmp0:
0xa: {  	s4 =	sadd.s32 $0xF43000, s1;
	s0 =	ssub.s32 $0x2, s0;
	(pc) =	sbr.rel .LBB2_1-.Ltmp0, $4  }
0xb: {  	_ =	strace $0x80000047;
	[dreg:$0x3] =	wrdreg s6;
	s6 =	sadd.s32 $0x1400, s1  }
0xc: {  	s26 =	sshrl.u32 s0, $0x1;
	s8 =	sshll.u32 s5, $0x7;
	s7 =	sshrl.u32 s10, $0x3  }
0xd: {  	s0 =	ssub.s32 s0, s26;
	s26 =	simm.s32 $0x12F20;
	s7 =	sadd.s32 s2, s7  }
0xe: {  	s10 =	sor.u32 $0x320, s10;
	s11 =	smax.u32 s0, $0x1;
	s9 =	sadd.s32 $0x32, s7  }
.LBB2_11:
0xf: {  	s31 =	sadd.s32 $0x1, s31  }
0x10: {  	_ =	swait.ge [sflag:s28], $0x6400;
	p0 =	sne.s32 s31, s11  }
.Ltmp1:
0x11: {  	[sflag:s28] =	ssyncset.done $0x0;
	(pc) =	sbr.rel @!p0 .LBB2_12-.Ltmp1, $4  }
0x12: {  	[sflag:s28] =	ssyncadd.s32 $0xFFFF9C00  }
0x13: {  	_ =	swait.ge [sflag:s29], $0x6400  }
0x14: {  	[sflag:s29] =	ssyncset.done $0x0  }
0x15: {  	[sflag:s29] =	ssyncadd.s32 $0xFFFF9C00  }
.LBB2_1:
0x16: {  	s0 =	rddreg [dreg:$0x3];
	s1 =	simm.s32 $0x19320  }
0x17: {  	[tilespmem:s1], [sflag:$0x7] =	stream.linear.gather [hbm4b:s0+s3], $0x3200, $0x38;
	[tilespmem:$0x1C520] =	vst v63  }
0x18: {  	_ =	swait.ge [sflag:s13], $0x3200  }
0x19: {  	[sflag:s13] =	ssyncset.done $0x0  }
0x1a: {  	[sflag:s13] =	ssyncadd.s32 $0xFFFFCE00  }
0x1b: {  	[tilespmem:s3], [sflag:$0x7] =	stream.linear.gather [hbm4b:s7+s3], $0x190, $0x38;
	[tilespmem:$0x1C520] =	vst v63  }
0x1c: {  	_ =	swait.ge [sflag:s13], $0x190  }
0x1d: {  	[sflag:s13] =	ssyncset.done $0x0  }
0x1e: {  	s15 =	simm.s32 $0x320;
	[sflag:s13] =	ssyncadd.s32 $0xFFFFFE70  }
0x1f: {  	[tilespmem:s15], [sflag:$0x3] =	stream.indirect.gather [hbm4b:s4+s14], $0x40, s3, s14, $0xb8;
	[tilespmem:$0x1C520] =	vst v63  }
0x20: {  	s16 =	simm.s32 $0x3520  }
0x21: {  	[tilespmem:s16], [sflag:$0x3] =	stream.indirect.gather [hbm4b:s4+s14], $0x40, s14, s14, $0xb8;
	[tilespmem:$0x1C520] =	vst v63  }
0x22: {  	_ = 	snop  }
0x23: {  	[tilespmem:s17], [sflag:$0x7] =	stream.linear.gather [hbm4b:s9+s3], $0x190, $0x38;
	[tilespmem:$0x1C520] =	vst v63  }
0x24: {  	_ =	swait.ge [sflag:s13], $0x190  }
0x25: {  	[sflag:s13] =	ssyncset.done $0x0  }
0x26: {  	[sflag:s13] =	ssyncadd.s32 $0xFFFFFE70  }
0x27: {  	[tilespmem:s18], [sflag:$0x4] =	stream.indirect.gather [hbm4b:s4+s14], $0x40, s17, s14, $0xb8;
	[tilespmem:$0x1C520] =	vst v63  }
0x28: {  	s1 =	simm.s32 $0x0  }
0x29: {  	[tilespmem:s20], [sflag:$0x4] =	stream.indirect.gather [hbm4b:s4+s14], $0x40, s19, s14, $0xb8;
	[tilespmem:$0x1C520] =	vst v63  }
.LBB2_2:
0x2a: {  	p0 =	seq.s32 s1, $0x1F  }
0x2b: {  	_ =	swait.ge [sflag:s21], $0x3200;
	p1 =	seq.s32 @!p0 s1, $0x0  }
0x2c: {  	[sflag:s21] =	ssyncset.done $0x0;
	s0 =	smul.u32 @!p0 $0x320, s1;
	p1 =	por p0, !p1  }
.Ltmp2:
0x2d: {  	[sflag:s21] =	ssyncadd.s32 $0xFFFFCE00;
	(pc) =	sbr.rel @!p1 .LBB2_3-.Ltmp2, $4  }
0x2e: {  	_ =	swait.ge [sflag:s21], $0x3200;
	s0 =	sadd.s32 @!p0 s0, s10  }
0x2f: {  	[sflag:s21] =	ssyncset.done $0x0;
	s0 =	sshrl.u32 @!p0 s0, $0x3  }
0x30: {  	s5 =	simm.s32 @!p0 $0x0;
	[sflag:s21] =	ssyncadd.s32 $0xFFFFCE00;
	s0 =	sadd.s32 @!p0 s2, s0  }
0x31: {  	[tilespmem:s5], [sflag:$0x1] =	stream.linear.gather @!p0 [hbm4b:s0+s5], $0x190, $0x38;
	[tilespmem:$0x1C520] =	vst v63  }
.Ltmp3:
0x32: {  	(pc) =	sbr.rel .LBB2_5-.Ltmp3, $4  }
0x33: {  	_ = 	snop  }
0x34: {  	_ =	swait.ge [sflag:s28], $0x6400  }
0x35: {  	[sflag:s28] =	ssyncset.done $0x0  }
0x36: {  	p1 =	por $0x0, $0x0;
	[sflag:s28] =	ssyncadd.s32 $0xFFFF9C00  }
.LBB2_3:
0x37: {  	p1 =	por @!p0 $0x1, $0x1  }
.LBB2_5:
0x38: {  	s0 =	simm.s32 $0x3590  }
0x39: {  	v0 =	vld [tilespmem:s0+$0xFFFFCD90]  }
0x3a: {  	s5 =	simm.s32 $0x19360  }
0x3b: {  	v1 =	vld [tilespmem:s5+$0xFFFFFFC0];
	_ =	sdelay $0x2  }
0x3c: {  	v0 =	vmul.f32 $8.000000000e+00, v0;
	_ =	sdelay $0x1  }
0x3d: {  	v0 =	vadd.f32 v0, v1  }
0x3e: {  	s12 =	simm.s32 $0xFD90  }
0x3f: {  	[tilespmem:s12+$0xFFFFCD90] =	vst v0  }
0x40: {  	v0 =	vld [tilespmem:s0+$0xFFFFFF90];
	_ =	sdelay $0x4  }
0x41: {  	v0 =	vmul.f32 $8.000000000e+00, v0;
	_ =	sdelay $0x1  }
0x42: {  	v0 =	vadd.f32 v0, v1;
	_ =	sdelay $0x1  }
0x43: {  	[tilespmem:s12+$0xFFFFFF90] =	vst v0  }
0x44: {  	v0 =	vld [tilespmem:s0+$0xFFFFCDA0];
	_ =	sdelay $0x1  }
0x45: {  	v1 =	vld [tilespmem:s5+$0xFFFFFFD0];
	_ =	sdelay $0x2  }
0x46: {  	v0 =	vmul.f32 $8.000000000e+00, v0;
	_ =	sdelay $0x1  }
0x47: {  	v0 =	vadd.f32 v0, v1;
	_ =	sdelay $0x1  }
0x48: {  	[tilespmem:s12+$0xFFFFCDA0] =	vst v0  }
0x49: {  	v0 =	vld [tilespmem:s0+$0xFFFFFFA0];
	_ =	sdelay $0x4  }
0x4a: {  	v0 =	vmul.f32 $8.000000000e+00, v0;
	_ =	sdelay $0x1  }
0x4b: {  	v0 =	vadd.f32 v0, v1;
	_ =	sdelay $0x1  }
0x4c: {  	[tilespmem:s12+$0xFFFFFFA0] =	vst v0  }
0x4d: {  	v0 =	vld [tilespmem:s0+$0xFFFFCDB0];
	_ =	sdelay $0x1  }
0x4e: {  	v1 =	vld [tilespmem:s5+$0xFFFFFFE0];
	_ =	sdelay $0x2  }
0x4f: {  	v0 =	vmul.f32 $8.000000000e+00, v0;
	_ =	sdelay $0x1  }
0x50: {  	v0 =	vadd.f32 v0, v1;
	_ =	sdelay $0x1  }
0x51: {  	[tilespmem:s12+$0xFFFFCDB0] =	vst v0  }
0x52: {  	v0 =	vld [tilespmem:s0+$0xFFFFFFB0];
	_ =	sdelay $0x4  }
0x53: {  	v0 =	vmul.f32 $8.000000000e+00, v0;
	_ =	sdelay $0x1  }
0x54: {  	v0 =	vadd.f32 v0, v1;
	_ =	sdelay $0x1  }
0x55: {  	[tilespmem:s12+$0xFFFFFFB0] =	vst v0  }
0x56: {  	v0 =	vld [tilespmem:s0+$0xFFFFCDC0];
	_ =	sdelay $0x1  }
0x57: {  	v1 =	vld [tilespmem:s5+$0xFFFFFFF0];
	_ =	sdelay $0x2  }
0x58: {  	v0 =	vmul.f32 $8.000000000e+00, v0;
	_ =	sdelay $0x1  }
0x59: {  	v0 =	vadd.f32 v0, v1;
	_ =	sdelay $0x1  }
0x5a: {  	[tilespmem:s12+$0xFFFFCDC0] =	vst v0  }
0x5b: {  	v0 =	vld [tilespmem:s0+$0xFFFFFFC0];
	_ =	sdelay $0x4  }
0x5c: {  	v0 =	vmul.f32 $8.000000000e+00, v0;
	_ =	sdelay $0x1  }
0x5d: {  	v0 =	vadd.f32 v0, v1;
	_ =	sdelay $0x1  }
0x5e: {  	[tilespmem:s12+$0xFFFFFFC0] =	vst v0  }
0x5f: {  	v0 =	vld [tilespmem:s0+$0xFFFFCDD0];
	_ =	sdelay $0x1  }
0x60: {  	v1 =	vld [tilespmem:s5+$0x0];
	_ =	sdelay $0x2  }
0x61: {  	v0 =	vmul.f32 $8.000000000e+00, v0;
	_ =	sdelay $0x1  }
0x62: {  	v0 =	vadd.f32 v0, v1;
	_ =	sdelay $0x1  }
0x63: {  	[tilespmem:s12+$0xFFFFCDD0] =	vst v0  }
0x64: {  	v0 =	vld [tilespmem:s0+$0xFFFFFFD0];
	_ =	sdelay $0x4  }
0x65: {  	v0 =	vmul.f32 $8.000000000e+00, v0;
	_ =	sdelay $0x1  }
0x66: {  	v0 =	vadd.f32 v0, v1;
	_ =	sdelay $0x1  }
0x67: {  	[tilespmem:s12+$0xFFFFFFD0] =	vst v0  }
0x68: {  	v0 =	vld [tilespmem:s0+$0xFFFFCDE0];
	_ =	sdelay $0x1  }
0x69: {  	v1 =	vld [tilespmem:s5+$0x10];
	_ =	sdelay $0x2  }
0x6a: {  	v0 =	vmul.f32 $8.000000000e+00, v0;
	_ =	sdelay $0x1  }
0x6b: {  	v0 =	vadd.f32 v0, v1;
	_ =	sdelay $0x1  }
0x6c: {  	[tilespmem:s12+$0xFFFFCDE0] =	vst v0  }
0x6d: {  	v0 =	vld [tilespmem:s0+$0xFFFFFFE0];
	_ =	sdelay $0x4  }
0x6e: {  	v0 =	vmul.f32 $8.000000000e+00, v0;
	_ =	sdelay $0x1  }
0x6f: {  	v0 =	vadd.f32 v0, v1;
	_ =	sdelay $0x1  }
0x70: {  	[tilespmem:s12+$0xFFFFFFE0] =	vst v0  }
0x71: {  	v0 =	vld [tilespmem:s0+$0xFFFFCDF0];
	_ =	sdelay $0x1  }
0x72: {  	v1 =	vld [tilespmem:s5+$0x20];
	_ =	sdelay $0x2  }
0x73: {  	v0 =	vmul.f32 $8.000000000e+00, v0;
	_ =	sdelay $0x1  }
0x74: {  	v0 =	vadd.f32 v0, v1;
	_ =	sdelay $0x1  }
0x75: {  	[tilespmem:s12+$0xFFFFCDF0] =	vst v0  }
0x76: {  	v0 =	vld [tilespmem:s0+$0xFFFFFFF0];
	_ =	sdelay $0x4  }
0x77: {  	v0 =	vmul.f32 $8.000000000e+00, v0;
	_ =	sdelay $0x1  }
0x78: {  	v0 =	vadd.f32 v0, v1;
	_ =	sdelay $0x1  }
0x79: {  	[tilespmem:s12+$0xFFFFFFF0] =	vst v0  }
0x7a: {  	v0 =	vld [tilespmem:s0+$0xFFFFCE00];
	_ =	sdelay $0x1  }
0x7b: {  	v1 =	vld [tilespmem:s5+$0x30];
	_ =	sdelay $0x2  }
0x7c: {  	v0 =	vmul.f32 $8.000000000e+00, v0;
	_ =	sdelay $0x1  }
0x7d: {  	v0 =	vadd.f32 v0, v1;
	_ =	sdelay $0x1  }
0x7e: {  	[tilespmem:s12+$0xFFFFCE00] =	vst v0  }
0x7f: {  	v0 =	vld [tilespmem:s0+$0x0];
	_ =	sdelay $0x4  }
0x80: {  	v0 =	vmul.f32 $8.000000000e+00, v0;
	_ =	sdelay $0x1  }
0x81: {  	v0 =	vadd.f32 v0, v1  }
0x82: {  	s15 =	sshll.u32 s1, $0x1;
	s16 =	simm.s32 $0x0;
	s5 =	simm.s32 $0x193E0  }
.LBB2_6:
0x83: {  	s16 =	sadd.s32 $0x2, s16;
	[tilespmem:s12+$0x0] =	vst v0;
	s12 =	sadd.s32 $0x80, s12;
	s0 =	sadd.s32 $0x80, s0  }
0x84: {  	v0 =	vld [tilespmem:s0+$0xFFFFCD90];
	p2 =	slt.u32 s16, $0xC6;
	_ =	sdelay $0x1  }
0x85: {  	v1 =	vld [tilespmem:s5+$0xFFFFFFC0];
	_ =	sdelay $0x2  }
0x86: {  	v0 =	vmul.f32 $8.000000000e+00, v0;
	_ =	sdelay $0x1  }
0x87: {  	v0 =	vadd.f32 v0, v1;
	_ =	sdelay $0x1  }
0x88: {  	[tilespmem:s12+$0xFFFFCD90] =	vst v0  }
0x89: {  	v0 =	vld [tilespmem:s0+$0xFFFFFF90];
	_ =	sdelay $0x4  }
0x8a: {  	v0 =	vmul.f32 $8.000000000e+00, v0;
	_ =	sdelay $0x1  }
0x8b: {  	v0 =	vadd.f32 v0, v1;
	_ =	sdelay $0x1  }
0x8c: {  	[tilespmem:s12+$0xFFFFFF90] =	vst v0  }
0x8d: {  	v0 =	vld [tilespmem:s0+$0xFFFFCDA0];
	_ =	sdelay $0x1  }
0x8e: {  	v1 =	vld [tilespmem:s5+$0xFFFFFFD0];
	_ =	sdelay $0x2  }
0x8f: {  	v0 =	vmul.f32 $8.000000000e+00, v0;
	_ =	sdelay $0x1  }
0x90: {  	v0 =	vadd.f32 v0, v1;
	_ =	sdelay $0x1  }
0x91: {  	[tilespmem:s12+$0xFFFFCDA0] =	vst v0  }
0x92: {  	v0 =	vld [tilespmem:s0+$0xFFFFFFA0];
	_ =	sdelay $0x4  }
0x93: {  	v0 =	vmul.f32 $8.000000000e+00, v0;
	_ =	sdelay $0x1  }
0x94: {  	v0 =	vadd.f32 v0, v1;
	_ =	sdelay $0x1  }
0x95: {  	[tilespmem:s12+$0xFFFFFFA0] =	vst v0  }
0x96: {  	v0 =	vld [tilespmem:s0+$0xFFFFCDB0];
	_ =	sdelay $0x1  }
0x97: {  	v1 =	vld [tilespmem:s5+$0xFFFFFFE0];
	_ =	sdelay $0x2  }
0x98: {  	v0 =	vmul.f32 $8.000000000e+00, v0;
	_ =	sdelay $0x1  }
0x99: {  	v0 =	vadd.f32 v0, v1;
	_ =	sdelay $0x1  }
0x9a: {  	[tilespmem:s12+$0xFFFFCDB0] =	vst v0  }
0x9b: {  	v0 =	vld [tilespmem:s0+$0xFFFFFFB0];
	_ =	sdelay $0x4  }
0x9c: {  	v0 =	vmul.f32 $8.000000000e+00, v0;
	_ =	sdelay $0x1  }
0x9d: {  	v0 =	vadd.f32 v0, v1;
	_ =	sdelay $0x1  }
0x9e: {  	[tilespmem:s12+$0xFFFFFFB0] =	vst v0  }
0x9f: {  	v0 =	vld [tilespmem:s0+$0xFFFFCDC0];
	_ =	sdelay $0x1  }
0xa0: {  	v1 =	vld [tilespmem:s5+$0xFFFFFFF0];
	_ =	sdelay $0x2  }
0xa1: {  	v0 =	vmul.f32 $8.000000000e+00, v0;
	_ =	sdelay $0x1  }
0xa2: {  	v0 =	vadd.f32 v0, v1;
	_ =	sdelay $0x1  }
0xa3: {  	[tilespmem:s12+$0xFFFFCDC0] =	vst v0  }
0xa4: {  	v0 =	vld [tilespmem:s0+$0xFFFFFFC0];
	_ =	sdelay $0x4  }
0xa5: {  	v0 =	vmul.f32 $8.000000000e+00, v0;
	_ =	sdelay $0x1  }
0xa6: {  	v0 =	vadd.f32 v0, v1;
	_ =	sdelay $0x1  }
0xa7: {  	[tilespmem:s12+$0xFFFFFFC0] =	vst v0  }
0xa8: {  	v0 =	vld [tilespmem:s0+$0xFFFFCDD0];
	_ =	sdelay $0x1  }
0xa9: {  	v1 =	vld [tilespmem:s5+$0x0];
	_ =	sdelay $0x2  }
0xaa: {  	v0 =	vmul.f32 $8.000000000e+00, v0;
	_ =	sdelay $0x1  }
0xab: {  	v0 =	vadd.f32 v0, v1;
	_ =	sdelay $0x1  }
0xac: {  	[tilespmem:s12+$0xFFFFCDD0] =	vst v0  }
0xad: {  	v0 =	vld [tilespmem:s0+$0xFFFFFFD0];
	_ =	sdelay $0x4  }
0xae: {  	v0 =	vmul.f32 $8.000000000e+00, v0;
	_ =	sdelay $0x1  }
0xaf: {  	v0 =	vadd.f32 v0, v1;
	_ =	sdelay $0x1  }
0xb0: {  	[tilespmem:s12+$0xFFFFFFD0] =	vst v0  }
0xb1: {  	v0 =	vld [tilespmem:s0+$0xFFFFCDE0]  }
0xb2: {  	v1 =	vld [tilespmem:s5+$0x10];
	_ =	sdelay $0x3  }
0xb3: {  	v0 =	vmul.f32 $8.000000000e+00, v0;
	_ =	sdelay $0x1  }
0xb4: {  	v0 =	vadd.f32 v0, v1;
	_ =	sdelay $0x1  }
0xb5: {  	[tilespmem:s12+$0xFFFFCDE0] =	vst v0  }
0xb6: {  	v0 =	vld [tilespmem:s0+$0xFFFFFFE0];
	_ =	sdelay $0x4  }
0xb7: {  	v0 =	vmul.f32 $8.000000000e+00, v0;
	_ =	sdelay $0x1  }
0xb8: {  	v0 =	vadd.f32 v0, v1;
	_ =	sdelay $0x1  }
0xb9: {  	[tilespmem:s12+$0xFFFFFFE0] =	vst v0  }
0xba: {  	v0 =	vld [tilespmem:s0+$0xFFFFCDF0]  }
0xbb: {  	v1 =	vld [tilespmem:s5+$0x20];
	_ =	sdelay $0x3  }
0xbc: {  	v0 =	vmul.f32 $8.000000000e+00, v0;
	_ =	sdelay $0x1  }
0xbd: {  	v0 =	vadd.f32 v0, v1;
	_ =	sdelay $0x1  }
0xbe: {  	[tilespmem:s12+$0xFFFFCDF0] =	vst v0  }
0xbf: {  	v0 =	vld [tilespmem:s0+$0xFFFFFFF0];
	_ =	sdelay $0x4  }
0xc0: {  	v0 =	vmul.f32 $8.000000000e+00, v0;
	_ =	sdelay $0x1  }
0xc1: {  	v0 =	vadd.f32 v0, v1;
	_ =	sdelay $0x1  }
0xc2: {  	[tilespmem:s12+$0xFFFFFFF0] =	vst v0  }
0xc3: {  	v0 =	vld [tilespmem:s0+$0xFFFFCE00]  }
0xc4: {  	v1 =	vld [tilespmem:s5+$0x30];
	_ =	sdelay $0x3  }
0xc5: {  	v0 =	vmul.f32 $8.000000000e+00, v0;
	_ =	sdelay $0x1  }
0xc6: {  	v0 =	vadd.f32 v0, v1;
	_ =	sdelay $0x1  }
0xc7: {  	[tilespmem:s12+$0xFFFFCE00] =	vst v0  }
0xc8: {  	v0 =	vld [tilespmem:s0+$0x0];
	_ =	sdelay $0x3  }
.Ltmp4:
0xc9: {  	(pc) =	sbr.rel @p2 .LBB2_6-.Ltmp4, $3  }
0xca: {  	v0 =	vmul.f32 $8.000000000e+00, v0;
	_ =	sdelay $0x1  }
0xcb: {  	v0 =	vadd.f32 v0, v1  }
0xcc: {  	s5 =	sadd.s32 $0x80, s5  }
0xcd: {  	s0 =	sshll.u32 s1, $0x2  }
0xce: {  	s0 =	sadd.s32 s8, s0  }
0xcf: {  	s0 =	smul.u32 $0xC80, s0;
	_ =	sdelay $0x1  }
0xd0: {  	[tilespmem:s12+$0x0] =	vst v0;
	s0 =	sadd.s32 s6, s0  }
0xd1: {  	[hbm4b:s0+s22] =	stream.strided.scatter [tilespmem:s24], [sflag:$0x5], $0x6400, s23, s22, $0x38;
	[tilespmem:$0x1C520] =	vst v63  }
0xd2: {  	s0 =	simm.s32 @!p0 $0x1  }
0xd3: {  	_ =	swait.ge @!p0 [sflag:s0], $0x190  }
0xd4: {  	s5 =	simm.s32 @!p0 $0x0;
	[sflag:s0] =	ssyncset.done @!p0 $0x0  }
0xd5: {  	s12 =	simm.s32 @!p0 $0x320;
	[sflag:s0] =	ssyncadd.s32 @!p0 $0xFFFFFE70;
	s0 =	simm.s32 @!p0 $0xC8  }
0xd6: {  	[tilespmem:s12], [sflag:$0x3] =	stream.indirect.gather @!p0 [hbm4b:s4+s0], $0x40, s5, s0, $0xb8;
	[tilespmem:$0x1C520] =	vst v63  }
0xd7: {  	s12 =	simm.s32 @!p0 $0x3520  }
0xd8: {  	[tilespmem:s12], [sflag:$0x3] =	stream.indirect.gather @!p0 [hbm4b:s4+s0], $0x40, s0, s0, $0xb8;
	[tilespmem:$0x1C520] =	vst v63  }
0xd9: {  	s0 =	sor.u32 $0x1, s15;
	_ =	swait.ge [sflag:s25], $0x3200  }
0xda: {  	s12 =	smul.u32 @!p0 $0x190, s0;
	[sflag:s25] =	ssyncset.done $0x0  }
0xdb: {  	[sflag:s25] =	ssyncadd.s32 $0xFFFFCE00  }
0xdc: {  	s12 =	sadd.s32 @!p0 s12, s10;
	_ =	swait.ge [sflag:s25], $0x3200  }
0xdd: {  	s12 =	sshrl.u32 @!p0 s12, $0x3;
	[sflag:s25] =	ssyncset.done $0x0  }
0xde: {  	s15 =	simm.s32 @!p0 $0x190;
	s12 =	sadd.s32 @!p0 s2, s12;
	[sflag:s25] =	ssyncadd.s32 $0xFFFFCE00  }
0xdf: {  	[tilespmem:s15], [sflag:$0x2] =	stream.linear.gather @!p0 [hbm4b:s12+s5], $0x190, $0x38;
	[tilespmem:$0x1C520] =	vst v63  }
0xe0: {  	s5 =	simm.s32 @!p1 $0x6  }
0xe1: {  	_ =	swait.ge @!p1 [sflag:s5], $0x6400  }
0xe2: {  	[sflag:s5] =	ssyncset.done @!p1 $0x0  }
0xe3: {  	[sflag:s5] =	ssyncadd.s32 @!p1 $0xFFFF9C00;
	s5 =	simm.s32 $0x0  }
0xe4: {  	v1 =	vld [tilespmem:s5+$0x9990]  }
0xe5: {  	v2 =	vld [tilespmem:s5+$0x6720]  }
0xe6: {  	v0 =	vld [tilespmem:s5+$0x19390]  }
0xe7: {  	v3 =	vld [tilespmem:s5+$0x9920]  }
0xe8: {  	v4 =	vld [tilespmem:s5+$0x6730]  }
0xe9: {  	v5 =	vld [tilespmem:s5+$0x9930]  }
0xea: {  	v6 =	vld [tilespmem:s5+$0x6740]  }
0xeb: {  	v7 =	vld [tilespmem:s5+$0x9940]  }
0xec: {  	v8 =	vld [tilespmem:s5+$0x6750]  }
0xed: {  	v9 =	vld [tilespmem:s5+$0x9950]  }
0xee: {  	v10 =	vld [tilespmem:s5+$0x6760]  }
0xef: {  	v11 =	vld [tilespmem:s5+$0x9960]  }
0xf0: {  	v12 =	vld [tilespmem:s5+$0x6770]  }
0xf1: {  	v13 =	vld [tilespmem:s5+$0x9970]  }
0xf2: {  	v14 =	vld [tilespmem:s5+$0x6780]  }
0xf3: {  	v21 =	vld [tilespmem:s5+$0x6790];
	v1 =	vmul.f32 $8.000000000e+00, v1;
	v15 =	vmul.f32 $8.000000000e+00, v2  }
0xf4: {  	v22 =	vld [tilespmem:s5+$0x19320];
	v19 =	vmul.f32 $8.000000000e+00, v3;
	v3 =	vmul.f32 $8.000000000e+00, v5  }
0xf5: {  	v20 =	vld [tilespmem:s5+$0x9980];
	v2 =	vmul.f32 $8.000000000e+00, v6;
	v5 =	vmul.f32 $8.000000000e+00, v8  }
0xf6: {  	v18 =	vld [tilespmem:s5+$0x19330];
	v6 =	vmul.f32 $8.000000000e+00, v9;
	v9 =	vmul.f32 $8.000000000e+00, v11;
	v1 =	vadd.f32 v1, v0  }
0xf7: {  	v17 =	vld [tilespmem:s5+$0x19340];
	v13 =	vmul.f32 $8.000000000e+00, v13;
	v11 =	vmul.f32 $8.000000000e+00, v14  }
0xf8: {  	v16 =	vld [tilespmem:s5+$0x19350];
	v8 =	vmul.f32 $8.000000000e+00, v21;
	[tilespmem:s5+$0x16190] =	vst v1;
	v1 =	vmul.f32 $8.000000000e+00, v4  }
0xf9: {  	v14 =	vld [tilespmem:s5+$0x19360];
	v19 =	vadd.f32 v19, v22;
	v4 =	vmul.f32 $8.000000000e+00, v7;
	v7 =	vmul.f32 $8.000000000e+00, v10  }
0xfa: {  	s12 =	simm.s32 $0x0;
	s15 =	simm.s32 $0x200;
	v10 =	vmul.f32 $8.000000000e+00, v12;
	v12 =	vmul.f32 $8.000000000e+00, v20;
	v20 =	vadd.f32 v15, v22;
	v15 =	vld [tilespmem:s5+$0x19370]  }
.LBB2_8:
0xfb: {  	s16 =	sshra.s32 s15, $0x2;
	s12 =	sadd.s32 $0x2, s12;
	v1 =	vadd.f32 v1, v18;
	v3 =	vadd.f32 v3, v18;
	v18 =	vld [tilespmem:s5+$0x19380]  }
0xfc: {  	v21 =	vld [tilespmem:s16+$0x9990];
	p1 =	slt.u32 s12, $0xC6;
	[tilespmem:s5+$0x12F20] =	vst v20;
	v2 =	vadd.f32 v2, v17;
	v4 =	vadd.f32 v4, v17  }
0xfd: {  	v17 =	vld [tilespmem:s16+$0x6720];
	[tilespmem:s5+$0x16120] =	vst v19;
	v5 =	vadd.f32 v5, v16;
	v6 =	vadd.f32 v6, v16  }
0xfe: {  	v16 =	vld [tilespmem:s16+$0x19390];
	[tilespmem:s5+$0x12F30] =	vst v1;
	v1 =	vadd.f32 v7, v14;
	v7 =	vadd.f32 v9, v14  }
0xff: {  	v9 =	vld [tilespmem:s16+$0x9920];
	[tilespmem:s5+$0x16130] =	vst v3;
	v10 =	vadd.f32 v10, v15;
	v13 =	vadd.f32 v13, v15  }
0x100: {  	v3 =	vld [tilespmem:s16+$0x6730];
	[tilespmem:s5+$0x12F40] =	vst v2;
	v11 =	vadd.f32 v11, v18;
	v12 =	vadd.f32 v12, v18  }
0x101: {  	v8 =	vadd.f32 v8, v0;
	v2 =	vld [tilespmem:s16+$0x9930];
	v14 =	vmul.f32 $8.000000000e+00, v21;
	[tilespmem:s5+$0x16140] =	vst v4  }
0x102: {  	v15 =	vmul.f32 $8.000000000e+00, v17;
	v4 =	vld [tilespmem:s16+$0x6740];
	[tilespmem:s5+$0x12F50] =	vst v5  }
0x103: {  	v5 =	vld [tilespmem:s16+$0x9940];
	v14 =	vadd.f32 v14, v16;
	[tilespmem:s5+$0x16150] =	vst v6;
	v0 =	vmov v16  }
0x104: {  	v19 =	vmul.f32 $8.000000000e+00, v9;
	v6 =	vld [tilespmem:s16+$0x6750];
	[tilespmem:s5+$0x12F60] =	vst v1  }
0x105: {  	v1 =	vmul.f32 $8.000000000e+00, v3;
	v9 =	vld [tilespmem:s16+$0x9950];
	[tilespmem:s16+$0x16190] =	vst v14  }
0x106: {  	v3 =	vmul.f32 $8.000000000e+00, v2;
	v14 =	vld [tilespmem:s16+$0x6760];
	[tilespmem:s5+$0x16160] =	vst v7  }
0x107: {  	v2 =	vmul.f32 $8.000000000e+00, v4;
	v16 =	vld [tilespmem:s16+$0x9960];
	[tilespmem:s5+$0x12F70] =	vst v10  }
0x108: {  	v4 =	vmul.f32 $8.000000000e+00, v5;
	v10 =	vld [tilespmem:s16+$0x6770];
	[tilespmem:s5+$0x16170] =	vst v13  }
0x109: {  	v5 =	vmul.f32 $8.000000000e+00, v6;
	v13 =	vld [tilespmem:s16+$0x9970];
	[tilespmem:s5+$0x12F80] =	vst v11  }
0x10a: {  	v6 =	vmul.f32 $8.000000000e+00, v9;
	v11 =	vld [tilespmem:s16+$0x6780];
	[tilespmem:s5+$0x16180] =	vst v12  }
0x10b: {  	v7 =	vmul.f32 $8.000000000e+00, v14;
	v12 =	vld [tilespmem:s16+$0x9980];
	[tilespmem:s5+$0x12F90] =	vst v8;
	s5 =	smov.u32 s16  }
0x10c: {  	v9 =	vmul.f32 $8.000000000e+00, v16;
	v8 =	vld [tilespmem:s5+$0x6790]  }
0x10d: {  	v21 =	vld [tilespmem:s5+$0x19320];
	v10 =	vmul.f32 $8.000000000e+00, v10  }
.Ltmp5:
0x10e: {  	v18 =	vld [tilespmem:s5+$0x19330];
	v13 =	vmul.f32 $8.000000000e+00, v13;
	(pc) =	sbr.rel @p1 .LBB2_8-.Ltmp5, $4  }
0x10f: {  	v17 =	vld [tilespmem:s5+$0x19340];
	v11 =	vmul.f32 $8.000000000e+00, v11  }
0x110: {  	v16 =	vld [tilespmem:s5+$0x19350];
	v12 =	vmul.f32 $8.000000000e+00, v12  }
0x111: {  	v14 =	vld [tilespmem:s5+$0x19360];
	v8 =	vmul.f32 $8.000000000e+00, v8  }
0x112: {  	s15 =	sadd.s32 $0x200, s15;
	v20 =	vadd.f32 v15, v21;
	v19 =	vadd.f32 v19, v21;
	v15 =	vld [tilespmem:s5+$0x19370]  }
0x113: {  	_ = 	snop  }
0x114: {  	v1 =	vadd.f32 v1, v18;
	[tilespmem:s5+$0x12F20] =	vst v20  }
0x115: {  	v3 =	vadd.f32 v3, v18;
	[tilespmem:s5+$0x16120] =	vst v19  }
0x116: {  	v0 =	vadd.f32 v8, v0;
	[tilespmem:s5+$0x12F30] =	vst v1  }
0x117: {  	v2 =	vadd.f32 v2, v17;
	[tilespmem:s5+$0x16130] =	vst v3  }
0x118: {  	v55 =	vadd.f32 v4, v17;
	[tilespmem:s5+$0x12F90] =	vst v0  }
0x119: {  	v56 =	vadd.f32 v5, v16;
	[tilespmem:s5+$0x12F40] =	vst v2  }
0x11a: {  	v21 =	vld [tilespmem:s5+$0x19380];
	v57 =	vadd.f32 v6, v16;
	[tilespmem:s5+$0x16140] =	vst v55  }
0x11b: {  	v58 =	vadd.f32 v7, v14;
	[tilespmem:s5+$0x12F50] =	vst v56  }
0x11c: {  	v59 =	vadd.f32 v9, v14;
	[tilespmem:s5+$0x16150] =	vst v57  }
0x11d: {  	v60 =	vadd.f32 v10, v15;
	[tilespmem:s5+$0x12F60] =	vst v58  }
0x11e: {  	s0 =	sshll.u32 s0, $0x1;
	v61 =	vadd.f32 v13, v15;
	[tilespmem:s5+$0x16160] =	vst v59  }
.Ltmp6:
0x11f: {  	s0 =	sadd.s32 s8, s0;
	v62 =	vadd.f32 v11, v21;
	[tilespmem:s5+$0x12F70] =	vst v60;
	(pc) =	sbr.rel @p0 .LBB2_11-.Ltmp6, $4  }
0x120: {  	s0 =	smul.u32 $0xC80, s0;
	v63 =	vadd.f32 v12, v21;
	[tilespmem:s5+$0x16170] =	vst v61  }
0x121: {  	[tilespmem:s5+$0x12F80] =	vst v62  }
0x122: {  	s0 =	sadd.s32 s6, s0;
	[tilespmem:s5+$0x16180] =	vst v63  }
0x123: {  	[hbm4b:s0+s22] =	stream.strided.scatter [tilespmem:s26], [sflag:$0x6], $0x6400, s23, s22, $0x38;
	[tilespmem:$0x1C520] =	vst v63  }
0x124: {  	_ =	swait.ge [sflag:s30], $0x190  }
.Ltmp7:
0x125: {  	[sflag:s30] =	ssyncset.done $0x0;
	(pc) =	sbr.rel .LBB2_2-.Ltmp7, $4  }
0x126: {  	[sflag:s30] =	ssyncadd.s32 $0xFFFFFE70  }
0x127: {  	[tilespmem:s18], [sflag:$0x4] =	stream.indirect.gather [hbm4b:s4+s14], $0x40, s17, s14, $0xb8;
	[tilespmem:$0x1C520] =	vst v63  }
0x128: {  	s1 =	sadd.s32 $0x1, s1  }
0x129: {  	[tilespmem:s20], [sflag:$0x4] =	stream.indirect.gather [hbm4b:s4+s14], $0x40, s19, s14, $0xb8;
	[tilespmem:$0x1C520] =	vst v63  }
.LBB2_12:
0x12a: {  	_ =	sfence.sel $0x180000  }
0x12b: {  	[bflag:$0x0] =	sbarrier.arrive $0xFFFF  }
0x12c: {  	_ =	strace $0x90000047  }
0x12d: {  	s0 =	stileid.u32;
	[bflag:$0x2] =	sbarrier.arrive $0xFFFF  }
0x12e: {  	p0 =	sne.s32 s0, $0x0;
	s0 =	rddreg [dreg:$0x2]  }
0x12f: {  	s0 =	sadd.s32 @!p0 $0x100000, s0  }
0x130: {  	[sflag:s0] =	ssyncadd.tile.s32 @!p0 $0x1;
	_ =	shalt  }
.Lfunc_end2:
_tile_overlayer_lowered:
.L_overlay_start_2:
0x131: {  	(tag) =	ssettag $0x2  }
0x132: {  	s0 =	rddreg [dreg:$0x0];
	s2 =	stileid.u32  }
0x133: {  	s1 =	rddreg [dreg:$0x1];
	p0 =	sne.s32 s2, $0x0  }
0x134: {  	s3 =	rddreg [dreg:$0x2];
	[bflag:$0x3] =	sbarrier.arrive $0xFFFF;
	s2 =	simm.s32 @!p0 $0x1C07  }
0x135: {  	[timem:s3], [sflag:s2] =	dma.local @!p0 [hbm:s0], s1  }
0x136: {  	s0 =	simm.s32 @!p0 $0x7  }
0x137: {  	_ =	swait.ge @!p0 [sflag:s0], s1  }
0x138: {  	s1 =	ssub.s32 @!p0 $0x0, s1;
	[sflag:s0] =	ssyncset.done @!p0 $0x0  }
0x139: {  	[sflag:s0] =	ssyncadd.s32 @!p0 s1  }
0x13a: {  	[bflag:$0x3] =	sbarrier.arrive $0xFFFF  }
0x13b: {  	_ =	shalt  }

// kernel: sparse-core-data-format-call.cloned.1.call-start
scs
called_computation_lowered:
.L_overlay_start_0:
0x0: {  	s2 =	sld [smem:$0x3FD9]  }
0x1: {  	s3 =	sld [smem:$0x3FFE];
	_ =	sdelay $0x1  }
0x2: {  	s1 =	srdreg.scid  }
0x3: {  	s0 =	sand.u32 $0x1, s1  }
0x4: {  	s18 =	sshll.u32 s0, $0xA;
	s2 =	sadd.s32 s3, s2  }
0x5: {  	s2 =	sadd.s32 s2, s18  }
0x6: {  	[smem:$0x3FC5] =	sst s2  }
0x7: {  	_ = 	snop  }
0x8: {  	s2 =	sld [smem:$0x3FD0];
	(tm) =	ssettm $0x1  }
0x9: {  	s19 =	sld [smem:$0x3FFB];
	_ =	sdelay $0x3  }
0xa: {  	_ =	strace s19  }
0xb: {  	s3 =	sld [smem:$0x3FFC];
	_ =	sdelay $0x3  }
0xc: {  	_ =	strace s3  }
0xd: {  	s3 =	sld [smem:$0x3FFD];
	_ =	sdelay $0x3  }
0xe: {  	_ =	strace s3  }
0xf: {  	_ =	strace $0x8FFFFFFF  }
0x10: {  	s20 =	sld [smem:$0x3FDB];
	_ =	sdelay $0x1  }
0x11: {  	s4 =	simm.s32 $_scs_section_size  }
0x12: {  	s5 =	simm.s32 $_size__tile_overlayer_lowered;
	s6 =	simm.s32 $_tile_overlayer_lowered  }
0x13: {  	s23 =	simm.s32 $0x1BFF;
	s22 =	sshll.u32 s6, $0x1;
	s3 =	sadd.s32 s4, s20  }
0x14: {  	s7 =	simm.s32 $0x0;
	s21 =	sshll.u32 s5, $0x1;
	s5 =	sadd.s32 s22, s3  }
0x15: {  	[timem:s7], [sflag:s23] =	dma.local [hbm:s5], s21  }
0x16: {  	_ =	swait.ge [sflag:s23], s21  }
0x17: {  	s4 =	ssub.s32 $0x0, s21;
	[sflag:s23] =	ssyncset.done $0x0  }
0x18: {  	[sflag:s23] =	ssyncadd.s32 s4;
	_ =	sdelay $0x1  }
0x19: {  	s24 =	simm.s32 $0x1B8B  }
0x1a: {  	_ =	swait.ge [sflag:s24], $0x1  }
0x1b: {  	[sflag:s24] =	ssyncset.done $0x0  }
0x1c: {  	s26 =	simm.s32 $0x1B8E;
	s25 =	sld [smem:$0x3FFE];
	[sflag:s24] =	ssyncadd.s32 $0xFFFFFFFF  }
0x1d: {  	s27 =	simm.s32 $execute0_lowered;
	[smem:$0x3FD2] =	sst s26  }
0x1e: {  	s5 =	sshll.u32 s27, $0x1;
	_ =	strace $0x80000049;
	[dreg:$0x1] =	wrdreg $0xFFFFFFFF  }
0x1f: {  	s28 =	simm.s32 $_size_execute0_lowered;
	s3 =	sadd.s32 s3, s5;
	[dreg:$0x0] =	wrdreg $0x0  }
0x20: {  	s5 =	sshll.u32 s28, $0x1;
	[dreg:$0x2] =	wrdreg s3  }
0x21: {  	[dreg:$0x3] =	wrdreg s5  }
0x22: {  	[dreg:$0x4] =	wrdreg $0xC0  }
0x23: {  	_ =	task [dreg:s7], $0x5FFFF  }
0x24: {  	[dreg:$0x1] =	wrdreg $0xFFFFFFFF  }
0x25: {  	[dreg:$0x0] =	wrdreg $0x60  }
0x26: {  	[dreg:$0x2] =	wrdreg s25  }
0x27: {  	[dreg:$0x3] =	wrdreg s2  }
0x28: {  	[dreg:$0x4] =	wrdreg $0x9  }
0x29: {  	_ =	task.clear_ibuf [dreg:s7], $0x5FFFF;
	_ =	strace $0x90000049  }
0x2a: {  	s29 =	simm.s32 $0x9;
	_ =	strace $0x8000004B  }
0x2b: {  	_ =	swait.ge [sflag:s29], $0x1  }
0x2c: {  	[sflag:s29] =	ssyncadd.s32 $0xFFFFFFFF  }
0x2d: {  	_ =	strace $0x9000004B  }
0x2e: {  	_ =	sfence  }
0x2f: {  	s30 =	sld [smem:$0x0];
	_ =	sdelay $0x2  }
0x30: {  	s31 =	sshll.u32 s1, $0xD;
	s1 =	sshrl.u32 s1, $0x2  }
0x31: {  	s3 =	sand.u32 $0x4000, s31;
	s1 =	sadd.s32 s1, s30  }
0x32: {  	s0 =	sor.u32 s3, s0;
	s1 =	sshll.u32 s1, $0x11  }
0x33: {  	s0 =	sor.u32 s1, s0  }
0x34: {  	s0 =	sadd.s32 $0x8F2B, s0  }
0x35: {  	[sflag:s0] =	ssyncadd.remote.s32 $0x1  }
0x36: {  	_ =	sfence.sel $0xFFFF  }
0x37: {  	[dreg:$0x0] =	wrdreg $0xFFFFFFFF;
	(pc) =	sbr.abs _section_cstart, $3  }
0x38: {  	[dreg:$0x1] =	wrdreg $0xFFFFFFFF  }
0x39: {  	_ =	task.clear_ibuf [dreg:s7], $0x2FFFF;
	_ =	strace $0x9FFFFFFF  }
0x3a: {  	(tm) =	ssettm $0x7FFFFFFF  }
0x3b: {  	_ =	shalt  }
tec
execute0_lowered:
.L_overlay_start_1:
0x0: {  	(tag) =	ssettag $0x1  }
0x1: {  	s0 =	srdreg.scid  }
0x2: {  	s1 =	sshll.u32 s0, $0x4  }
0x3: {  	s0 =	stileid.u32;
	s1 =	sand.u32 $0x10, s1  }
0x4: {  	s1 =	sor.u32 s0, s1  }
0x5: {  	s6 =	rddreg [dreg:$0x0];
	s4 =	simm.s32 $0x1;
	s2 =	sshll.u32 s1, $0x7  }
0x6: {  	s7 =	simm.s32 $0x2;
	s12 =	simm.s32 $0x0;
	s1 =	ssub.s32 $0x1000, s2  }
0x7: {  	s8 =	simm.s32 $0x8000;
	s13 =	simm.s32 $0x0;
	s3 =	sand.u32 $0xF80, s1  }
0x8: {  	s9 =	simm.s32 $0x0;
	s5 =	sshrl.u32 s1, $0xC;
	p0 =	sne.s32 s3, $0x0  }
.Ltmp0:
0x9: {  	s1 =	rddreg [dreg:$0x2];
	s4 =	simm.s32 @!p0 $0x0;
	(pc) =	sbr.rel .LBB1_1-.Ltmp0, $4  }
0xa: {  	s11 =	simm.s32 $0x0;
	s3 =	rddreg [dreg:$0x1];
	s5 =	sadd.s32 s4, s5  }
0xb: {  	_ =	strace $0x8000004A;
	s4 =	simm.s32 $0x1;
	s5 =	smul.u32 $0xC8, s5  }
0xc: {  	s6 =	sadd.s32 $0x1400, s6;
	s10 =	smov.u32 s2;
	[sflag:s4] =	ssyncpa.u1 $0x0  }
0xd: {  	p0 =	por $0x0, $0x0;
	[sflag:s7] =	ssyncpa.u1 $0x0;
	s7 =	sor.u32 $0x1, s5  }
.LBB1_4:
0xe: {  	s16 =	sshll.u32 s13, $0x3;
	s17 =	sand.u32 $0x78, s13  }
0xf: {  	s30 =	sand.u32 $0x7E00, s13;
	s12 =	sshll.u32 s12, $0xF;
	s16 =	sand.u32 $0xC00, s16  }
0x10: {  	[tilespmem:s15+$0x810 ss:$0x81] =	vst.msk $0xffff, v2;
	s31 =	sand.u32 $0x7, s13;
	s16 =	sor.u32 s17, s16;
	s17 =	sadd.s32 s3, s30  }
0x11: {  	[tilespmem:s15+$0x1020 ss:$0x81] =	vst.msk $0xffff, v0;
	s13 =	sshll.u32 s31, $0x12;
	s12 =	sadd.s32 s12, s17;
	s16 =	sshrl.u32 s16, $0x3  }
0x12: {  	[tilespmem:s15+$0x0 ss:$0x81] =	vst.msk $0xffff, v1;
	s13 =	sor.u32 $0x400, s13;
	s12 =	sadd.s32 s16, s12  }
0x13: {  	[hbm4b:s12+s13] =	stream.strided.scatter [tilespmem:s14], [sflag:$0x2], $0x2000, s8, s13, $0x20;
	[tilespmem:$0x8080] =	vst v63  }
.LBB1_5:
0x14: {  	s14 =	sadd.s32 $0x1, s9  }
0x15: {  	s12 =	sadd.s32 $0x1000, s10;
	s16 =	smov.u32 s10;
	p2 =	sgt.s32 s14, $0xC7  }
0x16: {  	s16 =	smov.u32 @p2 s12  }
0x17: {  	s14 =	simm.s32 @p2 $0x0;
	p2 =	sgt.s32 s16, $0xFFF  }
0x18: {  	s16 =	smov.u32 @p2 s2;
	p2 =	sne.s32 s11, s7  }
.Ltmp1:
0x19: {  	p1 =	slt.u32 s11, $0x2;
	(pc) =	sbr.rel @!p2 .LBB1_6-.Ltmp1, $4  }
0x1a: {  	s15 =	simm.s32 @!p1 $0x2  }
0x1b: {  	s13 =	smov.u32 s10;
	p0 =	por !p0, !p0;
	_ =	swait.ge @!p1 [sflag:s15], $0x2000  }
0x1c: {  	s12 =	smov.u32 s9;
	[sflag:s15] =	ssyncset.done @!p1 $0x0;
	s9 =	smov.u32 s14  }
0x1d: {  	s11 =	sadd.s32 $0x1, s11;
	[sflag:s15] =	ssyncadd.s32 @!p1 $0xFFFFE000;
	s10 =	smov.u32 s16  }
.LBB1_1:
0x1e: {  	p1 =	sge.u32 s11, s5  }
0x1f: {  	s14 =	sand.u32 @!p1 $0x1FFFFFF, s9  }
0x20: {  	s15 =	smulhi.u32 @!p1 $0x147AE15, s14;
	_ =	sdelay $0x1  }
0x21: {  	s15 =	smul.u32 @!p1 $0xC8, s15  }
0x22: {  	s16 =	sxor.u32 @!p1 $0xFFFFFFFF, s11;
	s17 =	smul.u32 @!p1 $0xC80, s10  }
0x23: {  	s31 =	sadd.s32 $0xFFFFFFFF, s11;
	s16 =	sshll.u32 @!p1 s16, $0xD;
	s14 =	ssub.s32 @!p1 s14, s15  }
0x24: {  	s15 =	sand.u32 @!p1 $0x2000, s16;
	s16 =	sadd.s32 @!p1 s6, s17;
	s14 =	sshll.u32 @!p1 s14, $0x4  }
0x25: {  	s17 =	simm.s32 @!p1 $0x6400;
	s14 =	sadd.s32 @!p1 s14, s16;
	s16 =	simm.s32 @!p1 $0x40  }
0x26: {  	[tilespmem:s15], [sflag:$0x1] =	stream.strided.gather @!p1 [hbm4b:s14+s16], $0x2000, s17, s16, $0x38;
	[tilespmem:$0x8080] =	vst v63  }
0x27: {  	p1 =	sge.u32 s31, s5  }
.Ltmp2:
0x28: {  	_ = 	snop;
	(pc) =	sbr.rel @p1 .LBB1_5-.Ltmp2, $1  }
0x29: {  	_ =	sdelay $0x3  }
0x2a: {  	s14 =	simm.s32 $0x1  }
0x2b: {  	_ =	swait.ge [sflag:s4], $0x2000;
	s14 =	simm.s32 @!p0 $0x0  }
0x2c: {  	[sflag:s4] =	ssyncset.done $0x0;
	s15 =	sshll.u32 s14, $0xD  }
0x2d: {  	[sflag:s4] =	ssyncadd.s32 $0xFFFFE000;
	s18 =	sor.u32 $0x20, s15  }
0x2e: {  	s14 =	smul.u32 $0x8100, s14;
	v3 =	vld [tilespmem:s18+$0x10]  }
0x2f: {  	s30 =	sand.u32 $0x1, s11;
	v2 =	vld [tilespmem:s18+$0xFFFFFFF0]  }
0x30: {  	s15 =	smul.u32 $0x8100, s30;
	s14 =	sshrl.u32 s14, $0x2;
	v0 =	vld [tilespmem:s18+$0x0]  }
0x31: {  	v1 =	vld [tilespmem:s18+$0xFFFFFFE0];
	s16 =	sor.u32 $0x4000, s14  }
0x32: {  	s31 =	sshrl.u32 s15, $0x2;
	s15 =	sadd.s32 $0x0, s16  }
0x33: {  	s17 =	simm.s32 $0x4;
	s18 =	sadd.s32 $0x40, s18;
	s14 =	sor.u32 $0x4000, s31;
	[tilespmem:s15+$0x1830 ss:$0x81] =	vst.msk $0xffff, v3  }
.LBB1_3:
0x34: {  	v3 =	vld [tilespmem:s18+$0x10];
	p1 =	sne.s32 s17, $0x1FC;
	[tilespmem:s15+$0x810 ss:$0x81] =	vst.msk $0xffff, v2;
	s19 =	smov.u32 s17;
	s17 =	sadd.s32 $0x4, s17  }
.Ltmp3:
0x35: {  	v2 =	vld [tilespmem:s18+$0xFFFFFFF0];
	[tilespmem:s15+$0x1020 ss:$0x81] =	vst.msk $0xffff, v0;
	(pc) =	sbr.rel @p1 .LBB1_3-.Ltmp3, $4  }
0x36: {  	v0 =	vld [tilespmem:s18+$0x0];
	[tilespmem:s15+$0x0 ss:$0x81] =	vst.msk $0xffff, v1  }
0x37: {  	s15 =	sshra.s32 s19, $0x2;
	v1 =	vld [tilespmem:s18+$0xFFFFFFE0]  }
0x38: {  	s15 =	sadd.s32 s15, s16  }
0x39: {  	s18 =	sadd.s32 $0x40, s18;
	[tilespmem:s15+$0x1830 ss:$0x81] =	vst.msk $0xffff, v3  }
.Ltmp4:
0x3a: {  	_ = 	snop;
	(pc) =	sbr.rel .LBB1_4-.Ltmp4, $1  }
0x3b: {  	_ =	sdelay $0x3  }
.LBB1_6:
0x3c: {  	_ =	sfence.sel $0x180000  }
0x3d: {  	s2 =	simm.s32 $0x1;
	[bflag:$0x0] =	sbarrier.arrive $0xFFFF  }
0x3e: {  	s31 =	simm.s32 $0x2;
	[sflag:s2] =	ssyncpa.u1 $0x1  }
0x3f: {  	[sflag:s31] =	ssyncpa.u1 $0x1  }
0x40: {  	p0 =	sne.s32 s0, $0x0;
	_ =	strace $0x9000004A  }
0x41: {  	s0 =	sadd.s32 @!p0 $0x100000, s1;
	[bflag:$0x2] =	sbarrier.arrive $0xFFFF  }
0x42: {  	[sflag:s0] =	ssyncadd.tile.s32 @!p0 $0x1;
	_ =	shalt  }
.Lfunc_end1:
_tile_overlayer_lowered:
.L_overlay_start_2:
0x43: {  	(tag) =	ssettag $0x2  }
0x44: {  	s0 =	rddreg [dreg:$0x0];
	s2 =	stileid.u32  }
0x45: {  	s1 =	rddreg [dreg:$0x1];
	p0 =	sne.s32 s2, $0x0  }
0x46: {  	s3 =	rddreg [dreg:$0x2];
	[bflag:$0x3] =	sbarrier.arrive $0xFFFF;
	s2 =	simm.s32 @!p0 $0x1C01  }
0x47: {  	[timem:s3], [sflag:s2] =	dma.local @!p0 [hbm:s0], s1  }
0x48: {  	s0 =	simm.s32 @!p0 $0x1  }
0x49: {  	_ =	swait.ge @!p0 [sflag:s0], s1  }
0x4a: {  	s1 =	ssub.s32 @!p0 $0x0, s1;
	[sflag:s0] =	ssyncset.done @!p0 $0x0  }
0x4b: {  	[sflag:s0] =	ssyncadd.s32 @!p0 s1  }
0x4c: {  	[bflag:$0x3] =	sbarrier.arrive $0xFFFF  }
0x4d: {  	_ =	shalt  }

</sc_bundles>
